<compile_context>
chip_gen: v7x
topology: tpu7x:2x2x1
jax: 0.10.2.dev20260603
libtpu: 0.0.44.dev20260713+nightly
codegen_flags: <defaults>
</compile_context>

<pallas_src>
import jax
import jax.numpy as jnp
from jax import lax
from jax.experimental import pallas as pl
from jax.experimental.pallas import tpu as pltpu
from jax.experimental.pallas import tpu_sc as plsc

_J, _K = 8, 7


def _sc_body(x_hbm, o_hbm, buf, lsem, ssem):
    info = plsc.get_sparse_core_info()
    nc = info.num_cores
    wid = lax.axis_index("s") * nc + lax.axis_index("c")

    def row_copy(src, dsts):
        b, r = src
        ld = pltpu.make_async_copy(x_hbm.at[b, r], buf, lsem)
        ld.start()
        ld.wait()
        stores = [
            pltpu.make_async_copy(buf, o_hbm.at[bb, j, k], ssem)
            for (bb, j, k) in dsts
        ]
        for st in stores:
            st.start()
        for st in stores:
            st.wait()

    def bgroup(g):
        b, k = g // 6, g % 6
        row_copy((b, k), [(b, j, k) for j in range(_J)])

    def diag(t):
        b, j = t // _J, t % _J
        row_copy((b, 6 + j), [(b, j, 6)])

    @pl.when(wid < 16)
    def _():
        for i in range(2):
            bgroup(wid * 2 + i)

    @pl.when(wid >= 16)
    def _():
        bgroup(32 + (wid - 16))
        for i in range(4):
            diag((wid - 16) * 4 + i)


def kernel(x):
    b, s, n, m, d = x.shape
    xt = x.transpose(0, 1, 3, 2, 4)
    mesh = plsc.VectorSubcoreMesh(core_axis_name="c", subcore_axis_name="s")
    fn = pl.kernel(
        _sc_body,
        out_type=jax.ShapeDtypeStruct((b, _J, _K, m, n, d), x.dtype),
        mesh=mesh,
        scratch_types=[
            pltpu.VMEM((m, n, d), x.dtype),
            pltpu.SemaphoreType.DMA,
            pltpu.SemaphoreType.DMA,
        ],
    )
    return fn(xt).transpose(0, 1, 2, 4, 3, 5)

# --- scband reference (transcript-rebuilt; emitter-appended) ---
"""Pipeline reference for scband-get-choise-81415400063301 (READ-ONLY COPY).

The authoritative reference and input builder live on the scoring server;
editing this copy changes nothing except your own understanding.
"""

import jax, jax.numpy as jnp
import numpy as np

def setup_inputs(seed: int = 0) -> dict:
    key = jax.random.key(seed)
    x = jax.random.normal(key, (8, 14, 128, 6, 128), dtype=jnp.float32)
    return {"x": x}

def reference(x):
    b, s, n, m, d = x.shape
    assert m == 6
    outs = []
    for j in range(8):
        idx = jnp.array([0, 1, 2, 3, 4, 5, 6 + j], dtype=jnp.int32)
        outs.append(jnp.take(x, idx, axis=1))
    return jnp.stack(outs, axis=1)

if __name__ == "__main__":
    import jax
    _d = setup_inputs()
    print(jax.jit(kernel)(*tuple(_d.values())))

</pallas_src>

<mosaic_0001>
#map = affine_map<(d0, d1) -> (0, 0, 0, 0, 0)>
#map1 = affine_map<(d0, d1) -> (0, 0, 0, 0, 0, 0)>
module attributes {stable_mosaic.version = 14 : i64} {
  func.func @_sc_body(%arg0: i32, %arg1: i32, %arg2: memref<8x14x6x128x128xf32, #tpu.memory_space<hbm>>, %arg3: memref<8x8x7x6x128x128xf32, #tpu.memory_space<hbm>>, %arg4: memref<6x128x128xf32, #tpu.memory_space<vmem>>, %arg5: memref<!tpu.dma_semaphore, #tpu.memory_space<semaphore_mem>>, %arg6: memref<!tpu.dma_semaphore, #tpu.memory_space<semaphore_mem>>) attributes {dimension_semantics = [#tpu.dimension_semantics<core_parallel>, #tpu.dimension_semantics<subcore_parallel>], iteration_bounds = array<i64: 2, 16>, scalar_prefetch = 0 : i64, scratch_operands = 3 : i64, tpu.core_type = #tpu.core_type<sc_vector_subcore>, window_params = [{transform_indices = #map}, {transform_indices = #map1}]} {
    %mul3A = arith.constant 2 : i32
    %mul3A_0 = arith.muli %arg1, %mul3A : i32
    %add3A = arith.addi %mul3A_0, %arg0 : i32
    %lt3A = arith.constant 16 : i32
    %lt3A_1 = arith.cmpi slt, %add3A, %lt3A : i32
    %convert_element_type3A = arith.extui %lt3A_1 : i1 to i32
    %cond3A = arith.constant 0 : i32
    %cond3A_2 = arith.cmpi ne, %convert_element_type3A, %cond3A : i32
    scf.if %cond3A_2 {
      %mul3A_7 = arith.constant 2 : i32
      %mul3A_8 = arith.muli %add3A, %mul3A_7 : i32
      %add3A_9 = arith.constant 0 : i32
      %add3A_10 = arith.addi %mul3A_8, %add3A_9 : i32
      %jit3A = arith.constant 6 : i32
      %div3A = arith.divsi %add3A_10, %jit3A : i32
      %sign3A = arith.constant 0 : i32
      %sign3A_11 = arith.cmpi sgt, %add3A_10, %sign3A : i32
      %sign3A_12 = arith.extui %sign3A_11 : i1 to i32
      %sign3A_13 = arith.constant 0 : i32
      %sign3A_14 = arith.cmpi slt, %add3A_10, %sign3A_13 : i32
      %sign3A_15 = arith.extui %sign3A_14 : i1 to i32
      %sign3A_16 = arith.subi %sign3A_12, %sign3A_15 : i32
      %sign3A_17 = arith.constant 0 : i32
      %sign3A_18 = arith.cmpi sgt, %jit3A, %sign3A_17 : i32
      %sign3A_19 = arith.extui %sign3A_18 : i1 to i32
      %sign3A_20 = arith.constant 0 : i32
      %sign3A_21 = arith.cmpi slt, %jit3A, %sign3A_20 : i32
      %sign3A_22 = arith.extui %sign3A_21 : i1 to i32
      %sign3A_23 = arith.subi %sign3A_19, %sign3A_22 : i32
      %ne3A = arith.cmpi ne, %sign3A_16, %sign3A_23 : i32
      %rem3A = arith.remsi %add3A_10, %jit3A : i32
      %ne3A_24 = arith.constant 0 : i32
      %ne3A_25 = arith.cmpi ne, %rem3A, %ne3A_24 : i32
      %and3A = arith.andi %ne3A, %ne3A_25 : i1
      %sub3A = arith.constant 1 : i32
      %sub3A_26 = arith.subi %div3A, %sub3A : i32
      %select_n3A = arith.select %and3A, %sub3A_26, %div3A : i32
      %jit3A_27 = arith.constant 6 : i32
      %eq3A = arith.constant 0 : i32
      %eq3A_28 = arith.cmpi eq, %jit3A_27, %eq3A : i32
      %jit3A_29 = arith.constant 1 : i32
      %select_n3A_30 = arith.select %eq3A_28, %jit3A_29, %jit3A_27 : i32
      %rem3A_31 = arith.remsi %add3A_10, %select_n3A_30 : i32
      %ne3A_32 = arith.constant 0 : i32
      %ne3A_33 = arith.cmpi ne, %rem3A_31, %ne3A_32 : i32
      %lt3A_34 = arith.constant 0 : i32
      %lt3A_35 = arith.cmpi slt, %rem3A_31, %lt3A_34 : i32
      %lt3A_36 = arith.constant 0 : i32
      %lt3A_37 = arith.cmpi slt, %select_n3A_30, %lt3A_36 : i32
      %ne3A_38 = arith.xori %lt3A_35, %lt3A_37 : i1
      %and3A_39 = arith.andi %ne3A_38, %ne3A_33 : i1
      %add3A_40 = arith.addi %rem3A_31, %select_n3A_30 : i32
      %select_n3A_41 = arith.select %and3A_39, %add3A_40, %rem3A_31 : i32
      %dma_start3A = arith.constant 0 : i32
      %dma_start3A_42 = arith.constant 0 : i32
      %dma_start3A_43 = arith.constant 0 : i32
      %dma_start3A_44 = tpu.memref_slice %arg2[%select_n3A, %select_n3A_41, %dma_start3A, %dma_start3A_42, %dma_start3A_43] : memref<8x14x6x128x128xf32, #tpu.memory_space<hbm>> -> memref<1x1x6x128x128xf32, #tpu.memory_space<hbm>>
      %dma_start3A_45 = tpu.memref_squeeze %dma_start3A_44 : memref<1x1x6x128x128xf32, #tpu.memory_space<hbm>> -> memref<6x128x128xf32, #tpu.memory_space<hbm>>
      %dma_start3A_46 = arith.constant 0 : i32
      %dma_start3A_47 = arith.constant 0 : i32
      %dma_start3A_48 = arith.constant 0 : i32
      %dma_start3A_49 = tpu.memref_slice %arg2[%select_n3A, %select_n3A_41, %dma_start3A_46, %dma_start3A_47, %dma_start3A_48] : memref<8x14x6x128x128xf32, #tpu.memory_space<hbm>> -> memref<1x1x6x128x128xf32, #tpu.memory_space<hbm>>
      %dma_start3A_50 = tpu.memref_squeeze %dma_start3A_49 : memref<1x1x6x128x128xf32, #tpu.memory_space<hbm>> -> memref<6x128x128xf32, #tpu.memory_space<hbm>>
      tpu.enqueue_dma source(%dma_start3A_50 : memref<6x128x128xf32, #tpu.memory_space<hbm>>) target(%arg4 : memref<6x128x128xf32, #tpu.memory_space<vmem>>) target_semaphore(%arg5 : memref<!tpu.dma_semaphore, #tpu.memory_space<semaphore_mem>>)
      %dma_wait3A = arith.constant 0 : i32
      %dma_wait3A_51 = arith.constant 0 : i32
      %dma_wait3A_52 = arith.constant 0 : i32
      %dma_wait3A_53 = tpu.memref_slice %arg2[%select_n3A, %select_n3A_41, %dma_wait3A, %dma_wait3A_51, %dma_wait3A_52] : memref<8x14x6x128x128xf32, #tpu.memory_space<hbm>> -> memref<1x1x6x128x128xf32, #tpu.memory_space<hbm>>
      %dma_wait3A_54 = tpu.memref_squeeze %dma_wait3A_53 : memref<1x1x6x128x128xf32, #tpu.memory_space<hbm>> -> memref<6x128x128xf32, #tpu.memory_space<hbm>>
      %dma_wait3A_55 = arith.constant 0 : i32
      %dma_wait3A_56 = arith.constant 0 : i32
      %dma_wait3A_57 = arith.constant 0 : i32
      %dma_wait3A_58 = tpu.memref_slice %arg2[%select_n3A, %select_n3A_41, %dma_wait3A_55, %dma_wait3A_56, %dma_wait3A_57] : memref<8x14x6x128x128xf32, #tpu.memory_space<hbm>> -> memref<1x1x6x128x128xf32, #tpu.memory_space<hbm>>
      %dma_wait3A_59 = tpu.memref_squeeze %dma_wait3A_58 : memref<1x1x6x128x128xf32, #tpu.memory_space<hbm>> -> memref<6x128x128xf32, #tpu.memory_space<hbm>>
      tpu.wait_dma2 semaphore(%arg5 : memref<!tpu.dma_semaphore, #tpu.memory_space<semaphore_mem>>) src(%dma_wait3A_59 : memref<6x128x128xf32, #tpu.memory_space<hbm>>) dst(%arg4 : memref<6x128x128xf32, #tpu.memory_space<vmem>>)
      %dma_start3A_60 = arith.constant 0 : i32
      %dma_start3A_61 = arith.constant 0 : i32
      %dma_start3A_62 = arith.constant 0 : i32
      %dma_start3A_63 = arith.constant 0 : i32
      %dma_start3A_64 = tpu.memref_slice %arg3[%select_n3A, %dma_start3A_60, %select_n3A_41, %dma_start3A_61, %dma_start3A_62, %dma_start3A_63] : memref<8x8x7x6x128x128xf32, #tpu.memory_space<hbm>> -> memref<1x1x1x6x128x128xf32, #tpu.memory_space<hbm>>
      %dma_start3A_65 = tpu.memref_squeeze %dma_start3A_64 : memref<1x1x1x6x128x128xf32, #tpu.memory_space<hbm>> -> memref<6x128x128xf32, #tpu.memory_space<hbm>>
      %dma_start3A_66 = arith.constant 0 : i32
      %dma_start3A_67 = arith.constant 0 : i32
      %dma_start3A_68 = arith.constant 0 : i32
      %dma_start3A_69 = tpu.memref_slice %arg3[%select_n3A, %dma_start3A_60, %select_n3A_41, %dma_start3A_66, %dma_start3A_67, %dma_start3A_68] : memref<8x8x7x6x128x128xf32, #tpu.memory_space<hbm>> -> memref<1x1x1x6x128x128xf32, #tpu.memory_space<hbm>>
      %dma_start3A_70 = tpu.memref_squeeze %dma_start3A_69 : memref<1x1x1x6x128x128xf32, #tpu.memory_space<hbm>> -> memref<6x128x128xf32, #tpu.memory_space<hbm>>
      tpu.enqueue_dma source(%arg4 : memref<6x128x128xf32, #tpu.memory_space<vmem>>) target(%dma_start3A_70 : memref<6x128x128xf32, #tpu.memory_space<hbm>>) target_semaphore(%arg6 : memref<!tpu.dma_semaphore, #tpu.memory_space<semaphore_mem>>)
      %dma_start3A_71 = arith.constant 1 : i32
      %dma_start3A_72 = arith.constant 0 : i32
      %dma_start3A_73 = arith.constant 0 : i32
      %dma_start3A_74 = arith.constant 0 : i32
      %dma_start3A_75 = tpu.memref_slice %arg3[%select_n3A, %dma_start3A_71, %select_n3A_41, %dma_start3A_72, %dma_start3A_73, %dma_start3A_74] : memref<8x8x7x6x128x128xf32, #tpu.memory_space<hbm>> -> memref<1x1x1x6x128x128xf32, #tpu.memory_space<hbm>>
      %dma_start3A_76 = tpu.memref_squeeze %dma_start3A_75 : memref<1x1x1x6x128x128xf32, #tpu.memory_space<hbm>> -> memref<6x128x128xf32, #tpu.memory_space<hbm>>
      %dma_start3A_77 = arith.constant 0 : i32
      %dma_start3A_78 = arith.constant 0 : i32
      %dma_start3A_79 = arith.constant 0 : i32
      %dma_start3A_80 = tpu.memref_slice %arg3[%select_n3A, %dma_start3A_71, %select_n3A_41, %dma_start3A_77, %dma_start3A_78, %dma_start3A_79] : memref<8x8x7x6x128x128xf32, #tpu.memory_space<hbm>> -> memref<1x1x1x6x128x128xf32, #tpu.memory_space<hbm>>
      %dma_start3A_81 = tpu.memref_squeeze %dma_start3A_80 : memref<1x1x1x6x128x128xf32, #tpu.memory_space<hbm>> -> memref<6x128x128xf32, #tpu.memory_space<hbm>>
      tpu.enqueue_dma source(%arg4 : memref<6x128x128xf32, #tpu.memory_space<vmem>>) target(%dma_start3A_81 : memref<6x128x128xf32, #tpu.memory_space<hbm>>) target_semaphore(%arg6 : memref<!tpu.dma_semaphore, #tpu.memory_space<semaphore_mem>>)
      %dma_start3A_82 = arith.constant 2 : i32
      %dma_start3A_83 = arith.constant 0 : i32
      %dma_start3A_84 = arith.constant 0 : i32
      %dma_start3A_85 = arith.constant 0 : i32
      %dma_start3A_86 = tpu.memref_slice %arg3[%select_n3A, %dma_start3A_82, %select_n3A_41, %dma_start3A_83, %dma_start3A_84, %dma_start3A_85] : memref<8x8x7x6x128x128xf32, #tpu.memory_space<hbm>> -> memref<1x1x1x6x128x128xf32, #tpu.memory_space<hbm>>
      %dma_start3A_87 = tpu.memref_squeeze %dma_start3A_86 : memref<1x1x1x6x128x128xf32, #tpu.memory_space<hbm>> -> memref<6x128x128xf32, #tpu.memory_space<hbm>>
      %dma_start3A_88 = arith.constant 0 : i32
      %dma_start3A_89 = arith.constant 0 : i32
      %dma_start3A_90 = arith.constant 0 : i32
      %dma_start3A_91 = tpu.memref_slice %arg3[%select_n3A, %dma_start3A_82, %select_n3A_41, %dma_start3A_88, %dma_start3A_89, %dma_start3A_90] : memref<8x8x7x6x128x128xf32, #tpu.memory_space<hbm>> -> memref<1x1x1x6x128x128xf32, #tpu.memory_space<hbm>>
      %dma_start3A_92 = tpu.memref_squeeze %dma_start3A_91 : memref<1x1x1x6x128x128xf32, #tpu.memory_space<hbm>> -> memref<6x128x128xf32, #tpu.memory_space<hbm>>
      tpu.enqueue_dma source(%arg4 : memref<6x128x128xf32, #tpu.memory_space<vmem>>) target(%dma_start3A_92 : memref<6x128x128xf32, #tpu.memory_space<hbm>>) target_semaphore(%arg6 : memref<!tpu.dma_semaphore, #tpu.memory_space<semaphore_mem>>)
      %dma_start3A_93 = arith.constant 3 : i32
      %dma_start3A_94 = arith.constant 0 : i32
      %dma_start3A_95 = arith.constant 0 : i32
      %dma_start3A_96 = arith.constant 0 : i32
      %dma_start3A_97 = tpu.memref_slice %arg3[%select_n3A, %dma_start3A_93, %select_n3A_41, %dma_start3A_94, %dma_start3A_95, %dma_start3A_96] : memref<8x8x7x6x128x128xf32, #tpu.memory_space<hbm>> -> memref<1x1x1x6x128x128xf32, #tpu.memory_space<hbm>>
      %dma_start3A_98 = tpu.memref_squeeze %dma_start3A_97 : memref<1x1x1x6x128x128xf32, #tpu.memory_space<hbm>> -> memref<6x128x128xf32, #tpu.memory_space<hbm>>
      %dma_start3A_99 = arith.constant 0 : i32
      %dma_start3A_100 = arith.constant 0 : i32
      %dma_start3A_101 = arith.constant 0 : i32
      %dma_start3A_102 = tpu.memref_slice %arg3[%select_n3A, %dma_start3A_93, %select_n3A_41, %dma_start3A_99, %dma_start3A_100, %dma_start3A_101] : memref<8x8x7x6x128x128xf32, #tpu.memory_space<hbm>> -> memref<1x1x1x6x128x128xf32, #tpu.memory_space<hbm>>
      %dma_start3A_103 = tpu.memref_squeeze %dma_start3A_102 : memref<1x1x1x6x128x128xf32, #tpu.memory_space<hbm>> -> memref<6x128x128xf32, #tpu.memory_space<hbm>>
      tpu.enqueue_dma source(%arg4 : memref<6x128x128xf32, #tpu.memory_space<vmem>>) target(%dma_start3A_103 : memref<6x128x128xf32, #tpu.memory_space<hbm>>) target_semaphore(%arg6 : memref<!tpu.dma_semaphore, #tpu.memory_space<semaphore_mem>>)
      %dma_start3A_104 = arith.constant 4 : i32
      %dma_start3A_105 = arith.constant 0 : i32
      %dma_start3A_106 = arith.constant 0 : i32
      %dma_start3A_107 = arith.constant 0 : i32
      %dma_start3A_108 = tpu.memref_slice %arg3[%select_n3A, %dma_start3A_104, %select_n3A_41, %dma_start3A_105, %dma_start3A_106, %dma_start3A_107] : memref<8x8x7x6x128x128xf32, #tpu.memory_space<hbm>> -> memref<1x1x1x6x128x128xf32, #tpu.memory_space<hbm>>
      %dma_start3A_109 = tpu.memref_squeeze %dma_start3A_108 : memref<1x1x1x6x128x128xf32, #tpu.memory_space<hbm>> -> memref<6x128x128xf32, #tpu.memory_space<hbm>>
      %dma_start3A_110 = arith.constant 0 : i32
      %dma_start3A_111 = arith.constant 0 : i32
      %dma_start3A_112 = arith.constant 0 : i32
      %dma_start3A_113 = tpu.memref_slice %arg3[%select_n3A, %dma_start3A_104, %select_n3A_41, %dma_start3A_110, %dma_start3A_111, %dma_start3A_112] : memref<8x8x7x6x128x128xf32, #tpu.memory_space<hbm>> -> memref<1x1x1x6x128x128xf32, #tpu.memory_space<hbm>>
      %dma_start3A_114 = tpu.memref_squeeze %dma_start3A_113 : memref<1x1x1x6x128x128xf32, #tpu.memory_space<hbm>> -> memref<6x128x128xf32, #tpu.memory_space<hbm>>
      tpu.enqueue_dma source(%arg4 : memref<6x128x128xf32, #tpu.memory_space<vmem>>) target(%dma_start3A_114 : memref<6x128x128xf32, #tpu.memory_space<hbm>>) target_semaphore(%arg6 : memref<!tpu.dma_semaphore, #tpu.memory_space<semaphore_mem>>)
      %dma_start3A_115 = arith.constant 5 : i32
      %dma_start3A_116 = arith.constant 0 : i32
      %dma_start3A_117 = arith.constant 0 : i32
      %dma_start3A_118 = arith.constant 0 : i32
      %dma_start3A_119 = tpu.memref_slice %arg3[%select_n3A, %dma_start3A_115, %select_n3A_41, %dma_start3A_116, %dma_start3A_117, %dma_start3A_118] : memref<8x8x7x6x128x128xf32, #tpu.memory_space<hbm>> -> memref<1x1x1x6x128x128xf32, #tpu.memory_space<hbm>>
      %dma_start3A_120 = tpu.memref_squeeze %dma_start3A_119 : memref<1x1x1x6x128x128xf32, #tpu.memory_space<hbm>> -> memref<6x128x128xf32, #tpu.memory_space<hbm>>
      %dma_start3A_121 = arith.constant 0 : i32
      %dma_start3A_122 = arith.constant 0 : i32
      %dma_start3A_123 = arith.constant 0 : i32
      %dma_start3A_124 = tpu.memref_slice %arg3[%select_n3A, %dma_start3A_115, %select_n3A_41, %dma_start3A_121, %dma_start3A_122, %dma_start3A_123] : memref<8x8x7x6x128x128xf32, #tpu.memory_space<hbm>> -> memref<1x1x1x6x128x128xf32, #tpu.memory_space<hbm>>
      %dma_start3A_125 = tpu.memref_squeeze %dma_start3A_124 : memref<1x1x1x6x128x128xf32, #tpu.memory_space<hbm>> -> memref<6x128x128xf32, #tpu.memory_space<hbm>>
      tpu.enqueue_dma source(%arg4 : memref<6x128x128xf32, #tpu.memory_space<vmem>>) target(%dma_start3A_125 : memref<6x128x128xf32, #tpu.memory_space<hbm>>) target_semaphore(%arg6 : memref<!tpu.dma_semaphore, #tpu.memory_space<semaphore_mem>>)
      %dma_start3A_126 = arith.constant 6 : i32
      %dma_start3A_127 = arith.constant 0 : i32
      %dma_start3A_128 = arith.constant 0 : i32
      %dma_start3A_129 = arith.constant 0 : i32
      %dma_start3A_130 = tpu.memref_slice %arg3[%select_n3A, %dma_start3A_126, %select_n3A_41, %dma_start3A_127, %dma_start3A_128, %dma_start3A_129] : memref<8x8x7x6x128x128xf32, #tpu.memory_space<hbm>> -> memref<1x1x1x6x128x128xf32, #tpu.memory_space<hbm>>
      %dma_start3A_131 = tpu.memref_squeeze %dma_start3A_130 : memref<1x1x1x6x128x128xf32, #tpu.memory_space<hbm>> -> memref<6x128x128xf32, #tpu.memory_space<hbm>>
      %dma_start3A_132 = arith.constant 0 : i32
      %dma_start3A_133 = arith.constant 0 : i32
      %dma_start3A_134 = arith.constant 0 : i32
      %dma_start3A_135 = tpu.memref_slice %arg3[%select_n3A, %dma_start3A_126, %select_n3A_41, %dma_start3A_132, %dma_start3A_133, %dma_start3A_134] : memref<8x8x7x6x128x128xf32, #tpu.memory_space<hbm>> -> memref<1x1x1x6x128x128xf32, #tpu.memory_space<hbm>>
      %dma_start3A_136 = tpu.memref_squeeze %dma_start3A_135 : memref<1x1x1x6x128x128xf32, #tpu.memory_space<hbm>> -> memref<6x128x128xf32, #tpu.memory_space<hbm>>
      tpu.enqueue_dma source(%arg4 : memref<6x128x128xf32, #tpu.memory_space<vmem>>) target(%dma_start3A_136 : memref<6x128x128xf32, #tpu.memory_space<hbm>>) target_semaphore(%arg6 : memref<!tpu.dma_semaphore, #tpu.memory_space<semaphore_mem>>)
      %dma_start3A_137 = arith.constant 7 : i32
      %dma_start3A_138 = arith.constant 0 : i32
      %dma_start3A_139 = arith.constant 0 : i32
      %dma_start3A_140 = arith.constant 0 : i32
      %dma_start3A_141 = tpu.memref_slice %arg3[%select_n3A, %dma_start3A_137, %select_n3A_41, %dma_start3A_138, %dma_start3A_139, %dma_start3A_140] : memref<8x8x7x6x128x128xf32, #tpu.memory_space<hbm>> -> memref<1x1x1x6x128x128xf32, #tpu.memory_space<hbm>>
      %dma_start3A_142 = tpu.memref_squeeze %dma_start3A_141 : memref<1x1x1x6x128x128xf32, #tpu.memory_space<hbm>> -> memref<6x128x128xf32, #tpu.memory_space<hbm>>
      %dma_start3A_143 = arith.constant 0 : i32
      %dma_start3A_144 = arith.constant 0 : i32
      %dma_start3A_145 = arith.constant 0 : i32
      %dma_start3A_146 = tpu.memref_slice %arg3[%select_n3A, %dma_start3A_137, %select_n3A_41, %dma_start3A_143, %dma_start3A_144, %dma_start3A_145] : memref<8x8x7x6x128x128xf32, #tpu.memory_space<hbm>> -> memref<1x1x1x6x128x128xf32, #tpu.memory_space<hbm>>
      %dma_start3A_147 = tpu.memref_squeeze %dma_start3A_146 : memref<1x1x1x6x128x128xf32, #tpu.memory_space<hbm>> -> memref<6x128x128xf32, #tpu.memory_space<hbm>>
      tpu.enqueue_dma source(%arg4 : memref<6x128x128xf32, #tpu.memory_space<vmem>>) target(%dma_start3A_147 : memref<6x128x128xf32, #tpu.memory_space<hbm>>) target_semaphore(%arg6 : memref<!tpu.dma_semaphore, #tpu.memory_space<semaphore_mem>>)
      %dma_wait3A_148 = arith.constant 0 : i32
      %dma_wait3A_149 = arith.constant 0 : i32
      %dma_wait3A_150 = arith.constant 0 : i32
      %dma_wait3A_151 = arith.constant 0 : i32
      %dma_wait3A_152 = tpu.memref_slice %arg3[%select_n3A, %dma_wait3A_148, %select_n3A_41, %dma_wait3A_149, %dma_wait3A_150, %dma_wait3A_151] : memref<8x8x7x6x128x128xf32, #tpu.memory_space<hbm>> -> memref<1x1x1x6x128x128xf32, #tpu.memory_space<hbm>>
      %dma_wait3A_153 = tpu.memref_squeeze %dma_wait3A_152 : memref<1x1x1x6x128x128xf32, #tpu.memory_space<hbm>> -> memref<6x128x128xf32, #tpu.memory_space<hbm>>
      %dma_wait3A_154 = arith.constant 0 : i32
      %dma_wait3A_155 = arith.constant 0 : i32
      %dma_wait3A_156 = arith.constant 0 : i32
      %dma_wait3A_157 = tpu.memref_slice %arg3[%select_n3A, %dma_wait3A_148, %select_n3A_41, %dma_wait3A_154, %dma_wait3A_155, %dma_wait3A_156] : memref<8x8x7x6x128x128xf32, #tpu.memory_space<hbm>> -> memref<1x1x1x6x128x128xf32, #tpu.memory_space<hbm>>
      %dma_wait3A_158 = tpu.memref_squeeze %dma_wait3A_157 : memref<1x1x1x6x128x128xf32, #tpu.memory_space<hbm>> -> memref<6x128x128xf32, #tpu.memory_space<hbm>>
      tpu.wait_dma2 semaphore(%arg6 : memref<!tpu.dma_semaphore, #tpu.memory_space<semaphore_mem>>) src(%arg4 : memref<6x128x128xf32, #tpu.memory_space<vmem>>) dst(%dma_wait3A_158 : memref<6x128x128xf32, #tpu.memory_space<hbm>>)
      %dma_wait3A_159 = arith.constant 1 : i32
      %dma_wait3A_160 = arith.constant 0 : i32
      %dma_wait3A_161 = arith.constant 0 : i32
      %dma_wait3A_162 = arith.constant 0 : i32
      %dma_wait3A_163 = tpu.memref_slice %arg3[%select_n3A, %dma_wait3A_159, %select_n3A_41, %dma_wait3A_160, %dma_wait3A_161, %dma_wait3A_162] : memref<8x8x7x6x128x128xf32, #tpu.memory_space<hbm>> -> memref<1x1x1x6x128x128xf32, #tpu.memory_space<hbm>>
      %dma_wait3A_164 = tpu.memref_squeeze %dma_wait3A_163 : memref<1x1x1x6x128x128xf32, #tpu.memory_space<hbm>> -> memref<6x128x128xf32, #tpu.memory_space<hbm>>
      %dma_wait3A_165 = arith.constant 0 : i32
      %dma_wait3A_166 = arith.constant 0 : i32
      %dma_wait3A_167 = arith.constant 0 : i32
      %dma_wait3A_168 = tpu.memref_slice %arg3[%select_n3A, %dma_wait3A_159, %select_n3A_41, %dma_wait3A_165, %dma_wait3A_166, %dma_wait3A_167] : memref<8x8x7x6x128x128xf32, #tpu.memory_space<hbm>> -> memref<1x1x1x6x128x128xf32, #tpu.memory_space<hbm>>
      %dma_wait3A_169 = tpu.memref_squeeze %dma_wait3A_168 : memref<1x1x1x6x128x128xf32, #tpu.memory_space<hbm>> -> memref<6x128x128xf32, #tpu.memory_space<hbm>>
      tpu.wait_dma2 semaphore(%arg6 : memref<!tpu.dma_semaphore, #tpu.memory_space<semaphore_mem>>) src(%arg4 : memref<6x128x128xf32, #tpu.memory_space<vmem>>) dst(%dma_wait3A_169 : memref<6x128x128xf32, #tpu.memory_space<hbm>>)
      %dma_wait3A_170 = arith.constant 2 : i32
      %dma_wait3A_171 = arith.constant 0 : i32
      %dma_wait3A_172 = arith.constant 0 : i32
      %dma_wait3A_173 = arith.constant 0 : i32
      %dma_wait3A_174 = tpu.memref_slice %arg3[%select_n3A, %dma_wait3A_170, %select_n3A_41, %dma_wait3A_171, %dma_wait3A_172, %dma_wait3A_173] : memref<8x8x7x6x128x128xf32, #tpu.memory_space<hbm>> -> memref<1x1x1x6x128x128xf32, #tpu.memory_space<hbm>>
      %dma_wait3A_175 = tpu.memref_squeeze %dma_wait3A_174 : memref<1x1x1x6x128x128xf32, #tpu.memory_space<hbm>> -> memref<6x128x128xf32, #tpu.memory_space<hbm>>
      %dma_wait3A_176 = arith.constant 0 : i32
      %dma_wait3A_177 = arith.constant 0 : i32
      %dma_wait3A_178 = arith.constant 0 : i32
      %dma_wait3A_179 = tpu.memref_slice %arg3[%select_n3A, %dma_wait3A_170, %select_n3A_41, %dma_wait3A_176, %dma_wait3A_177, %dma_wait3A_178] : memref<8x8x7x6x128x128xf32, #tpu.memory_space<hbm>> -> memref<1x1x1x6x128x128xf32, #tpu.memory_space<hbm>>
      %dma_wait3A_180 = tpu.memref_squeeze %dma_wait3A_179 : memref<1x1x1x6x128x128xf32, #tpu.memory_space<hbm>> -> memref<6x128x128xf32, #tpu.memory_space<hbm>>
      tpu.wait_dma2 semaphore(%arg6 : memref<!tpu.dma_semaphore, #tpu.memory_space<semaphore_mem>>) src(%arg4 : memref<6x128x128xf32, #tpu.memory_space<vmem>>) dst(%dma_wait3A_180 : memref<6x128x128xf32, #tpu.memory_space<hbm>>)
      %dma_wait3A_181 = arith.constant 3 : i32
      %dma_wait3A_182 = arith.constant 0 : i32
      %dma_wait3A_183 = arith.constant 0 : i32
      %dma_wait3A_184 = arith.constant 0 : i32
      %dma_wait3A_185 = tpu.memref_slice %arg3[%select_n3A, %dma_wait3A_181, %select_n3A_41, %dma_wait3A_182, %dma_wait3A_183, %dma_wait3A_184] : memref<8x8x7x6x128x128xf32, #tpu.memory_space<hbm>> -> memref<1x1x1x6x128x128xf32, #tpu.memory_space<hbm>>
      %dma_wait3A_186 = tpu.memref_squeeze %dma_wait3A_185 : memref<1x1x1x6x128x128xf32, #tpu.memory_space<hbm>> -> memref<6x128x128xf32, #tpu.memory_space<hbm>>
      %dma_wait3A_187 = arith.constant 0 : i32
      %dma_wait3A_188 = arith.constant 0 : i32
      %dma_wait3A_189 = arith.constant 0 : i32
      %dma_wait3A_190 = tpu.memref_slice %arg3[%select_n3A, %dma_wait3A_181, %select_n3A_41, %dma_wait3A_187, %dma_wait3A_188, %dma_wait3A_189] : memref<8x8x7x6x128x128xf32, #tpu.memory_space<hbm>> -> memref<1x1x1x6x128x128xf32, #tpu.memory_space<hbm>>
      %dma_wait3A_191 = tpu.memref_squeeze %dma_wait3A_190 : memref<1x1x1x6x128x128xf32, #tpu.memory_space<hbm>> -> memref<6x128x128xf32, #tpu.memory_space<hbm>>
      tpu.wait_dma2 semaphore(%arg6 : memref<!tpu.dma_semaphore, #tpu.memory_space<semaphore_mem>>) src(%arg4 : memref<6x128x128xf32, #tpu.memory_space<vmem>>) dst(%dma_wait3A_191 : memref<6x128x128xf32, #tpu.memory_space<hbm>>)
      %dma_wait3A_192 = arith.constant 4 : i32
      %dma_wait3A_193 = arith.constant 0 : i32
      %dma_wait3A_194 = arith.constant 0 : i32
      %dma_wait3A_195 = arith.constant 0 : i32
      %dma_wait3A_196 = tpu.memref_slice %arg3[%select_n3A, %dma_wait3A_192, %select_n3A_41, %dma_wait3A_193, %dma_wait3A_194, %dma_wait3A_195] : memref<8x8x7x6x128x128xf32, #tpu.memory_space<hbm>> -> memref<1x1x1x6x128x128xf32, #tpu.memory_space<hbm>>
      %dma_wait3A_197 = tpu.memref_squeeze %dma_wait3A_196 : memref<1x1x1x6x128x128xf32, #tpu.memory_space<hbm>> -> memref<6x128x128xf32, #tpu.memory_space<hbm>>
      %dma_wait3A_198 = arith.constant 0 : i32
      %dma_wait3A_199 = arith.constant 0 : i32
      %dma_wait3A_200 = arith.constant 0 : i32
      %dma_wait3A_201 = tpu.memref_slice %arg3[%select_n3A, %dma_wait3A_192, %select_n3A_41, %dma_wait3A_198, %dma_wait3A_199, %dma_wait3A_200] : memref<8x8x7x6x128x128xf32, #tpu.memory_space<hbm>> -> memref<1x1x1x6x128x128xf32, #tpu.memory_space<hbm>>
      %dma_wait3A_202 = tpu.memref_squeeze %dma_wait3A_201 : memref<1x1x1x6x128x128xf32, #tpu.memory_space<hbm>> -> memref<6x128x128xf32, #tpu.memory_space<hbm>>
      tpu.wait_dma2 semaphore(%arg6 : memref<!tpu.dma_semaphore, #tpu.memory_space<semaphore_mem>>) src(%arg4 : memref<6x128x128xf32, #tpu.memory_space<vmem>>) dst(%dma_wait3A_202 : memref<6x128x128xf32, #tpu.memory_space<hbm>>)
      %dma_wait3A_203 = arith.constant 5 : i32
      %dma_wait3A_204 = arith.constant 0 : i32
      %dma_wait3A_205 = arith.constant 0 : i32
      %dma_wait3A_206 = arith.constant 0 : i32
      %dma_wait3A_207 = tpu.memref_slice %arg3[%select_n3A, %dma_wait3A_203, %select_n3A_41, %dma_wait3A_204, %dma_wait3A_205, %dma_wait3A_206] : memref<8x8x7x6x128x128xf32, #tpu.memory_space<hbm>> -> memref<1x1x1x6x128x128xf32, #tpu.memory_space<hbm>>
      %dma_wait3A_208 = tpu.memref_squeeze %dma_wait3A_207 : memref<1x1x1x6x128x128xf32, #tpu.memory_space<hbm>> -> memref<6x128x128xf32, #tpu.memory_space<hbm>>
      %dma_wait3A_209 = arith.constant 0 : i32
      %dma_wait3A_210 = arith.constant 0 : i32
      %dma_wait3A_211 = arith.constant 0 : i32
      %dma_wait3A_212 = tpu.memref_slice %arg3[%select_n3A, %dma_wait3A_203, %select_n3A_41, %dma_wait3A_209, %dma_wait3A_210, %dma_wait3A_211] : memref<8x8x7x6x128x128xf32, #tpu.memory_space<hbm>> -> memref<1x1x1x6x128x128xf32, #tpu.memory_space<hbm>>
      %dma_wait3A_213 = tpu.memref_squeeze %dma_wait3A_212 : memref<1x1x1x6x128x128xf32, #tpu.memory_space<hbm>> -> memref<6x128x128xf32, #tpu.memory_space<hbm>>
      tpu.wait_dma2 semaphore(%arg6 : memref<!tpu.dma_semaphore, #tpu.memory_space<semaphore_mem>>) src(%arg4 : memref<6x128x128xf32, #tpu.memory_space<vmem>>) dst(%dma_wait3A_213 : memref<6x128x128xf32, #tpu.memory_space<hbm>>)
      %dma_wait3A_214 = arith.constant 6 : i32
      %dma_wait3A_215 = arith.constant 0 : i32
      %dma_wait3A_216 = arith.constant 0 : i32
      %dma_wait3A_217 = arith.constant 0 : i32
      %dma_wait3A_218 = tpu.memref_slice %arg3[%select_n3A, %dma_wait3A_214, %select_n3A_41, %dma_wait3A_215, %dma_wait3A_216, %dma_wait3A_217] : memref<8x8x7x6x128x128xf32, #tpu.memory_space<hbm>> -> memref<1x1x1x6x128x128xf32, #tpu.memory_space<hbm>>
      %dma_wait3A_219 = tpu.memref_squeeze %dma_wait3A_218 : memref<1x1x1x6x128x128xf32, #tpu.memory_space<hbm>> -> memref<6x128x128xf32, #tpu.memory_space<hbm>>
      %dma_wait3A_220 = arith.constant 0 : i32
      %dma_wait3A_221 = arith.constant 0 : i32
      %dma_wait3A_222 = arith.constant 0 : i32
      %dma_wait3A_223 = tpu.memref_slice %arg3[%select_n3A, %dma_wait3A_214, %select_n3A_41, %dma_wait3A_220, %dma_wait3A_221, %dma_wait3A_222] : memref<8x8x7x6x128x128xf32, #tpu.memory_space<hbm>> -> memref<1x1x1x6x128x128xf32, #tpu.memory_space<hbm>>
      %dma_wait3A_224 = tpu.memref_squeeze %dma_wait3A_223 : memref<1x1x1x6x128x128xf32, #tpu.memory_space<hbm>> -> memref<6x128x128xf32, #tpu.memory_space<hbm>>
      tpu.wait_dma2 semaphore(%arg6 : memref<!tpu.dma_semaphore, #tpu.memory_space<semaphore_mem>>) src(%arg4 : memref<6x128x128xf32, #tpu.memory_space<vmem>>) dst(%dma_wait3A_224 : memref<6x128x128xf32, #tpu.memory_space<hbm>>)
      %dma_wait3A_225 = arith.constant 7 : i32
      %dma_wait3A_226 = arith.constant 0 : i32
      %dma_wait3A_227 = arith.constant 0 : i32
      %dma_wait3A_228 = arith.constant 0 : i32
      %dma_wait3A_229 = tpu.memref_slice %arg3[%select_n3A, %dma_wait3A_225, %select_n3A_41, %dma_wait3A_226, %dma_wait3A_227, %dma_wait3A_228] : memref<8x8x7x6x128x128xf32, #tpu.memory_space<hbm>> -> memref<1x1x1x6x128x128xf32, #tpu.memory_space<hbm>>
      %dma_wait3A_230 = tpu.memref_squeeze %dma_wait3A_229 : memref<1x1x1x6x128x128xf32, #tpu.memory_space<hbm>> -> memref<6x128x128xf32, #tpu.memory_space<hbm>>
      %dma_wait3A_231 = arith.constant 0 : i32
      %dma_wait3A_232 = arith.constant 0 : i32
      %dma_wait3A_233 = arith.constant 0 : i32
      %dma_wait3A_234 = tpu.memref_slice %arg3[%select_n3A, %dma_wait3A_225, %select_n3A_41, %dma_wait3A_231, %dma_wait3A_232, %dma_wait3A_233] : memref<8x8x7x6x128x128xf32, #tpu.memory_space<hbm>> -> memref<1x1x1x6x128x128xf32, #tpu.memory_space<hbm>>
      %dma_wait3A_235 = tpu.memref_squeeze %dma_wait3A_234 : memref<1x1x1x6x128x128xf32, #tpu.memory_space<hbm>> -> memref<6x128x128xf32, #tpu.memory_space<hbm>>
      tpu.wait_dma2 semaphore(%arg6 : memref<!tpu.dma_semaphore, #tpu.memory_space<semaphore_mem>>) src(%arg4 : memref<6x128x128xf32, #tpu.memory_space<vmem>>) dst(%dma_wait3A_235 : memref<6x128x128xf32, #tpu.memory_space<hbm>>)
      %mul3A_236 = arith.constant 2 : i32
      %mul3A_237 = arith.muli %add3A, %mul3A_236 : i32
      %add3A_238 = arith.constant 1 : i32
      %add3A_239 = arith.addi %mul3A_237, %add3A_238 : i32
      %jit3A_240 = arith.constant 6 : i32
      %div3A_241 = arith.divsi %add3A_239, %jit3A_240 : i32
      %sign3A_242 = arith.constant 0 : i32
      %sign3A_243 = arith.cmpi sgt, %add3A_239, %sign3A_242 : i32
      %sign3A_244 = arith.extui %sign3A_243 : i1 to i32
      %sign3A_245 = arith.constant 0 : i32
      %sign3A_246 = arith.cmpi slt, %add3A_239, %sign3A_245 : i32
      %sign3A_247 = arith.extui %sign3A_246 : i1 to i32
      %sign3A_248 = arith.subi %sign3A_244, %sign3A_247 : i32
      %sign3A_249 = arith.constant 0 : i32
      %sign3A_250 = arith.cmpi sgt, %jit3A_240, %sign3A_249 : i32
      %sign3A_251 = arith.extui %sign3A_250 : i1 to i32
      %sign3A_252 = arith.constant 0 : i32
      %sign3A_253 = arith.cmpi slt, %jit3A_240, %sign3A_252 : i32
      %sign3A_254 = arith.extui %sign3A_253 : i1 to i32
      %sign3A_255 = arith.subi %sign3A_251, %sign3A_254 : i32
      %ne3A_256 = arith.cmpi ne, %sign3A_248, %sign3A_255 : i32
      %rem3A_257 = arith.remsi %add3A_239, %jit3A_240 : i32
      %ne3A_258 = arith.constant 0 : i32
      %ne3A_259 = arith.cmpi ne, %rem3A_257, %ne3A_258 : i32
      %and3A_260 = arith.andi %ne3A_256, %ne3A_259 : i1
      %sub3A_261 = arith.constant 1 : i32
      %sub3A_262 = arith.subi %div3A_241, %sub3A_261 : i32
      %select_n3A_263 = arith.select %and3A_260, %sub3A_262, %div3A_241 : i32
      %jit3A_264 = arith.constant 6 : i32
      %eq3A_265 = arith.constant 0 : i32
      %eq3A_266 = arith.cmpi eq, %jit3A_264, %eq3A_265 : i32
      %jit3A_267 = arith.constant 1 : i32
      %select_n3A_268 = arith.select %eq3A_266, %jit3A_267, %jit3A_264 : i32
      %rem3A_269 = arith.remsi %add3A_239, %select_n3A_268 : i32
      %ne3A_270 = arith.constant 0 : i32
      %ne3A_271 = arith.cmpi ne, %rem3A_269, %ne3A_270 : i32
      %lt3A_272 = arith.constant 0 : i32
      %lt3A_273 = arith.cmpi slt, %rem3A_269, %lt3A_272 : i32
      %lt3A_274 = arith.constant 0 : i32
      %lt3A_275 = arith.cmpi slt, %select_n3A_268, %lt3A_274 : i32
      %ne3A_276 = arith.xori %lt3A_273, %lt3A_275 : i1
      %and3A_277 = arith.andi %ne3A_276, %ne3A_271 : i1
      %add3A_278 = arith.addi %rem3A_269, %select_n3A_268 : i32
      %select_n3A_279 = arith.select %and3A_277, %add3A_278, %rem3A_269 : i32
      %dma_start3A_280 = arith.constant 0 : i32
      %dma_start3A_281 = arith.constant 0 : i32
      %dma_start3A_282 = arith.constant 0 : i32
      %dma_start3A_283 = tpu.memref_slice %arg2[%select_n3A_263, %select_n3A_279, %dma_start3A_280, %dma_start3A_281, %dma_start3A_282] : memref<8x14x6x128x128xf32, #tpu.memory_space<hbm>> -> memref<1x1x6x128x128xf32, #tpu.memory_space<hbm>>
      %dma_start3A_284 = tpu.memref_squeeze %dma_start3A_283 : memref<1x1x6x128x128xf32, #tpu.memory_space<hbm>> -> memref<6x128x128xf32, #tpu.memory_space<hbm>>
      %dma_start3A_285 = arith.constant 0 : i32
      %dma_start3A_286 = arith.constant 0 : i32
      %dma_start3A_287 = arith.constant 0 : i32
      %dma_start3A_288 = tpu.memref_slice %arg2[%select_n3A_263, %select_n3A_279, %dma_start3A_285, %dma_start3A_286, %dma_start3A_287] : memref<8x14x6x128x128xf32, #tpu.memory_space<hbm>> -> memref<1x1x6x128x128xf32, #tpu.memory_space<hbm>>
      %dma_start3A_289 = tpu.memref_squeeze %dma_start3A_288 : memref<1x1x6x128x128xf32, #tpu.memory_space<hbm>> -> memref<6x128x128xf32, #tpu.memory_space<hbm>>
      tpu.enqueue_dma source(%dma_start3A_289 : memref<6x128x128xf32, #tpu.memory_space<hbm>>) target(%arg4 : memref<6x128x128xf32, #tpu.memory_space<vmem>>) target_semaphore(%arg5 : memref<!tpu.dma_semaphore, #tpu.memory_space<semaphore_mem>>)
      %dma_wait3A_290 = arith.constant 0 : i32
      %dma_wait3A_291 = arith.constant 0 : i32
      %dma_wait3A_292 = arith.constant 0 : i32
      %dma_wait3A_293 = tpu.memref_slice %arg2[%select_n3A_263, %select_n3A_279, %dma_wait3A_290, %dma_wait3A_291, %dma_wait3A_292] : memref<8x14x6x128x128xf32, #tpu.memory_space<hbm>> -> memref<1x1x6x128x128xf32, #tpu.memory_space<hbm>>
      %dma_wait3A_294 = tpu.memref_squeeze %dma_wait3A_293 : memref<1x1x6x128x128xf32, #tpu.memory_space<hbm>> -> memref<6x128x128xf32, #tpu.memory_space<hbm>>
      %dma_wait3A_295 = arith.constant 0 : i32
      %dma_wait3A_296 = arith.constant 0 : i32
      %dma_wait3A_297 = arith.constant 0 : i32
      %dma_wait3A_298 = tpu.memref_slice %arg2[%select_n3A_263, %select_n3A_279, %dma_wait3A_295, %dma_wait3A_296, %dma_wait3A_297] : memref<8x14x6x128x128xf32, #tpu.memory_space<hbm>> -> memref<1x1x6x128x128xf32, #tpu.memory_space<hbm>>
      %dma_wait3A_299 = tpu.memref_squeeze %dma_wait3A_298 : memref<1x1x6x128x128xf32, #tpu.memory_space<hbm>> -> memref<6x128x128xf32, #tpu.memory_space<hbm>>
      tpu.wait_dma2 semaphore(%arg5 : memref<!tpu.dma_semaphore, #tpu.memory_space<semaphore_mem>>) src(%dma_wait3A_299 : memref<6x128x128xf32, #tpu.memory_space<hbm>>) dst(%arg4 : memref<6x128x128xf32, #tpu.memory_space<vmem>>)
      %dma_start3A_300 = arith.constant 0 : i32
      %dma_start3A_301 = arith.constant 0 : i32
      %dma_start3A_302 = arith.constant 0 : i32
      %dma_start3A_303 = arith.constant 0 : i32
      %dma_start3A_304 = tpu.memref_slice %arg3[%select_n3A_263, %dma_start3A_300, %select_n3A_279, %dma_start3A_301, %dma_start3A_302, %dma_start3A_303] : memref<8x8x7x6x128x128xf32, #tpu.memory_space<hbm>> -> memref<1x1x1x6x128x128xf32, #tpu.memory_space<hbm>>
      %dma_start3A_305 = tpu.memref_squeeze %dma_start3A_304 : memref<1x1x1x6x128x128xf32, #tpu.memory_space<hbm>> -> memref<6x128x128xf32, #tpu.memory_space<hbm>>
      %dma_start3A_306 = arith.constant 0 : i32
      %dma_start3A_307 = arith.constant 0 : i32
      %dma_start3A_308 = arith.constant 0 : i32
      %dma_start3A_309 = tpu.memref_slice %arg3[%select_n3A_263, %dma_start3A_300, %select_n3A_279, %dma_start3A_306, %dma_start3A_307, %dma_start3A_308] : memref<8x8x7x6x128x128xf32, #tpu.memory_space<hbm>> -> memref<1x1x1x6x128x128xf32, #tpu.memory_space<hbm>>
      %dma_start3A_310 = tpu.memref_squeeze %dma_start3A_309 : memref<1x1x1x6x128x128xf32, #tpu.memory_space<hbm>> -> memref<6x128x128xf32, #tpu.memory_space<hbm>>
      tpu.enqueue_dma source(%arg4 : memref<6x128x128xf32, #tpu.memory_space<vmem>>) target(%dma_start3A_310 : memref<6x128x128xf32, #tpu.memory_space<hbm>>) target_semaphore(%arg6 : memref<!tpu.dma_semaphore, #tpu.memory_space<semaphore_mem>>)
      %dma_start3A_311 = arith.constant 1 : i32
      %dma_start3A_312 = arith.constant 0 : i32
      %dma_start3A_313 = arith.constant 0 : i32
      %dma_start3A_314 = arith.constant 0 : i32
      %dma_start3A_315 = tpu.memref_slice %arg3[%select_n3A_263, %dma_start3A_311, %select_n3A_279, %dma_start3A_312, %dma_start3A_313, %dma_start3A_314] : memref<8x8x7x6x128x128xf32, #tpu.memory_space<hbm>> -> memref<1x1x1x6x128x128xf32, #tpu.memory_space<hbm>>
      %dma_start3A_316 = tpu.memref_squeeze %dma_start3A_315 : memref<1x1x1x6x128x128xf32, #tpu.memory_space<hbm>> -> memref<6x128x128xf32, #tpu.memory_space<hbm>>
      %dma_start3A_317 = arith.constant 0 : i32
      %dma_start3A_318 = arith.constant 0 : i32
      %dma_start3A_319 = arith.constant 0 : i32
      %dma_start3A_320 = tpu.memref_slice %arg3[%select_n3A_263, %dma_start3A_311, %select_n3A_279, %dma_start3A_317, %dma_start3A_318, %dma_start3A_319] : memref<8x8x7x6x128x128xf32, #tpu.memory_space<hbm>> -> memref<1x1x1x6x128x128xf32, #tpu.memory_space<hbm>>
      %dma_start3A_321 = tpu.memref_squeeze %dma_start3A_320 : memref<1x1x1x6x128x128xf32, #tpu.memory_space<hbm>> -> memref<6x128x128xf32, #tpu.memory_space<hbm>>
      tpu.enqueue_dma source(%arg4 : memref<6x128x128xf32, #tpu.memory_space<vmem>>) target(%dma_start3A_321 : memref<6x128x128xf32, #tpu.memory_space<hbm>>) target_semaphore(%arg6 : memref<!tpu.dma_semaphore, #tpu.memory_space<semaphore_mem>>)
      %dma_start3A_322 = arith.constant 2 : i32
      %dma_start3A_323 = arith.constant 0 : i32
      %dma_start3A_324 = arith.constant 0 : i32
      %dma_start3A_325 = arith.constant 0 : i32
      %dma_start3A_326 = tpu.memref_slice %arg3[%select_n3A_263, %dma_start3A_322, %select_n3A_279, %dma_start3A_323, %dma_start3A_324, %dma_start3A_325] : memref<8x8x7x6x128x128xf32, #tpu.memory_space<hbm>> -> memref<1x1x1x6x128x128xf32, #tpu.memory_space<hbm>>
      %dma_start3A_327 = tpu.memref_squeeze %dma_start3A_326 : memref<1x1x1x6x128x128xf32, #tpu.memory_space<hbm>> -> memref<6x128x128xf32, #tpu.memory_space<hbm>>
      %dma_start3A_328 = arith.constant 0 : i32
      %dma_start3A_329 = arith.constant 0 : i32
      %dma_start3A_330 = arith.constant 0 : i32
      %dma_start3A_331 = tpu.memref_slice %arg3[%select_n3A_263, %dma_start3A_322, %select_n3A_279, %dma_start3A_328, %dma_start3A_329, %dma_start3A_330] : memref<8x8x7x6x128x128xf32, #tpu.memory_space<hbm>> -> memref<1x1x1x6x128x128xf32, #tpu.memory_space<hbm>>
      %dma_start3A_332 = tpu.memref_squeeze %dma_start3A_331 : memref<1x1x1x6x128x128xf32, #tpu.memory_space<hbm>> -> memref<6x128x128xf32, #tpu.memory_space<hbm>>
      tpu.enqueue_dma source(%arg4 : memref<6x128x128xf32, #tpu.memory_space<vmem>>) target(%dma_start3A_332 : memref<6x128x128xf32, #tpu.memory_space<hbm>>) target_semaphore(%arg6 : memref<!tpu.dma_semaphore, #tpu.memory_space<semaphore_mem>>)
      %dma_start3A_333 = arith.constant 3 : i32
      %dma_start3A_334 = arith.constant 0 : i32
      %dma_start3A_335 = arith.constant 0 : i32
      %dma_start3A_336 = arith.constant 0 : i32
      %dma_start3A_337 = tpu.memref_slice %arg3[%select_n3A_263, %dma_start3A_333, %select_n3A_279, %dma_start3A_334, %dma_start3A_335, %dma_start3A_336] : memref<8x8x7x6x128x128xf32, #tpu.memory_space<hbm>> -> memref<1x1x1x6x128x128xf32, #tpu.memory_space<hbm>>
      %dma_start3A_338 = tpu.memref_squeeze %dma_start3A_337 : memref<1x1x1x6x128x128xf32, #tpu.memory_space<hbm>> -> memref<6x128x128xf32, #tpu.memory_space<hbm>>
      %dma_start3A_339 = arith.constant 0 : i32
      %dma_start3A_340 = arith.constant 0 : i32
      %dma_start3A_341 = arith.constant 0 : i32
      %dma_start3A_342 = tpu.memref_slice %arg3[%select_n3A_263, %dma_start3A_333, %select_n3A_279, %dma_start3A_339, %dma_start3A_340, %dma_start3A_341] : memref<8x8x7x6x128x128xf32, #tpu.memory_space<hbm>> -> memref<1x1x1x6x128x128xf32, #tpu.memory_space<hbm>>
      %dma_start3A_343 = tpu.memref_squeeze %dma_start3A_342 : memref<1x1x1x6x128x128xf32, #tpu.memory_space<hbm>> -> memref<6x128x128xf32, #tpu.memory_space<hbm>>
      tpu.enqueue_dma source(%arg4 : memref<6x128x128xf32, #tpu.memory_space<vmem>>) target(%dma_start3A_343 : memref<6x128x128xf32, #tpu.memory_space<hbm>>) target_semaphore(%arg6 : memref<!tpu.dma_semaphore, #tpu.memory_space<semaphore_mem>>)
      %dma_start3A_344 = arith.constant 4 : i32
      %dma_start3A_345 = arith.constant 0 : i32
      %dma_start3A_346 = arith.constant 0 : i32
      %dma_start3A_347 = arith.constant 0 : i32
      %dma_start3A_348 = tpu.memref_slice %arg3[%select_n3A_263, %dma_start3A_344, %select_n3A_279, %dma_start3A_345, %dma_start3A_346, %dma_start3A_347] : memref<8x8x7x6x128x128xf32, #tpu.memory_space<hbm>> -> memref<1x1x1x6x128x128xf32, #tpu.memory_space<hbm>>
      %dma_start3A_349 = tpu.memref_squeeze %dma_start3A_348 : memref<1x1x1x6x128x128xf32, #tpu.memory_space<hbm>> -> memref<6x128x128xf32, #tpu.memory_space<hbm>>
      %dma_start3A_350 = arith.constant 0 : i32
      %dma_start3A_351 = arith.constant 0 : i32
      %dma_start3A_352 = arith.constant 0 : i32
      %dma_start3A_353 = tpu.memref_slice %arg3[%select_n3A_263, %dma_start3A_344, %select_n3A_279, %dma_start3A_350, %dma_start3A_351, %dma_start3A_352] : memref<8x8x7x6x128x128xf32, #tpu.memory_space<hbm>> -> memref<1x1x1x6x128x128xf32, #tpu.memory_space<hbm>>
      %dma_start3A_354 = tpu.memref_squeeze %dma_start3A_353 : memref<1x1x1x6x128x128xf32, #tpu.memory_space<hbm>> -> memref<6x128x128xf32, #tpu.memory_space<hbm>>
      tpu.enqueue_dma source(%arg4 : memref<6x128x128xf32, #tpu.memory_space<vmem>>) target(%dma_start3A_354 : memref<6x128x128xf32, #tpu.memory_space<hbm>>) target_semaphore(%arg6 : memref<!tpu.dma_semaphore, #tpu.memory_space<semaphore_mem>>)
      %dma_start3A_355 = arith.constant 5 : i32
      %dma_start3A_356 = arith.constant 0 : i32
      %dma_start3A_357 = arith.constant 0 : i32
      %dma_start3A_358 = arith.constant 0 : i32
      %dma_start3A_359 = tpu.memref_slice %arg3[%select_n3A_263, %dma_start3A_355, %select_n3A_279, %dma_start3A_356, %dma_start3A_357, %dma_start3A_358] : memref<8x8x7x6x128x128xf32, #tpu.memory_space<hbm>> -> memref<1x1x1x6x128x128xf32, #tpu.memory_space<hbm>>
      %dma_start3A_360 = tpu.memref_squeeze %dma_start3A_359 : memref<1x1x1x6x128x128xf32, #tpu.memory_space<hbm>> -> memref<6x128x128xf32, #tpu.memory_space<hbm>>
      %dma_start3A_361 = arith.constant 0 : i32
      %dma_start3A_362 = arith.constant 0 : i32
      %dma_start3A_363 = arith.constant 0 : i32
      %dma_start3A_364 = tpu.memref_slice %arg3[%select_n3A_263, %dma_start3A_355, %select_n3A_279, %dma_start3A_361, %dma_start3A_362, %dma_start3A_363] : memref<8x8x7x6x128x128xf32, #tpu.memory_space<hbm>> -> memref<1x1x1x6x128x128xf32, #tpu.memory_space<hbm>>
      %dma_start3A_365 = tpu.memref_squeeze %dma_start3A_364 : memref<1x1x1x6x128x128xf32, #tpu.memory_space<hbm>> -> memref<6x128x128xf32, #tpu.memory_space<hbm>>
      tpu.enqueue_dma source(%arg4 : memref<6x128x128xf32, #tpu.memory_space<vmem>>) target(%dma_start3A_365 : memref<6x128x128xf32, #tpu.memory_space<hbm>>) target_semaphore(%arg6 : memref<!tpu.dma_semaphore, #tpu.memory_space<semaphore_mem>>)
      %dma_start3A_366 = arith.constant 6 : i32
      %dma_start3A_367 = arith.constant 0 : i32
      %dma_start3A_368 = arith.constant 0 : i32
      %dma_start3A_369 = arith.constant 0 : i32
      %dma_start3A_370 = tpu.memref_slice %arg3[%select_n3A_263, %dma_start3A_366, %select_n3A_279, %dma_start3A_367, %dma_start3A_368, %dma_start3A_369] : memref<8x8x7x6x128x128xf32, #tpu.memory_space<hbm>> -> memref<1x1x1x6x128x128xf32, #tpu.memory_space<hbm>>
      %dma_start3A_371 = tpu.memref_squeeze %dma_start3A_370 : memref<1x1x1x6x128x128xf32, #tpu.memory_space<hbm>> -> memref<6x128x128xf32, #tpu.memory_space<hbm>>
      %dma_start3A_372 = arith.constant 0 : i32
      %dma_start3A_373 = arith.constant 0 : i32
      %dma_start3A_374 = arith.constant 0 : i32
      %dma_start3A_375 = tpu.memref_slice %arg3[%select_n3A_263, %dma_start3A_366, %select_n3A_279, %dma_start3A_372, %dma_start3A_373, %dma_start3A_374] : memref<8x8x7x6x128x128xf32, #tpu.memory_space<hbm>> -> memref<1x1x1x6x128x128xf32, #tpu.memory_space<hbm>>
      %dma_start3A_376 = tpu.memref_squeeze %dma_start3A_375 : memref<1x1x1x6x128x128xf32, #tpu.memory_space<hbm>> -> memref<6x128x128xf32, #tpu.memory_space<hbm>>
      tpu.enqueue_dma source(%arg4 : memref<6x128x128xf32, #tpu.memory_space<vmem>>) target(%dma_start3A_376 : memref<6x128x128xf32, #tpu.memory_space<hbm>>) target_semaphore(%arg6 : memref<!tpu.dma_semaphore, #tpu.memory_space<semaphore_mem>>)
      %dma_start3A_377 = arith.constant 7 : i32
      %dma_start3A_378 = arith.constant 0 : i32
      %dma_start3A_379 = arith.constant 0 : i32
      %dma_start3A_380 = arith.constant 0 : i32
      %dma_start3A_381 = tpu.memref_slice %arg3[%select_n3A_263, %dma_start3A_377, %select_n3A_279, %dma_start3A_378, %dma_start3A_379, %dma_start3A_380] : memref<8x8x7x6x128x128xf32, #tpu.memory_space<hbm>> -> memref<1x1x1x6x128x128xf32, #tpu.memory_space<hbm>>
      %dma_start3A_382 = tpu.memref_squeeze %dma_start3A_381 : memref<1x1x1x6x128x128xf32, #tpu.memory_space<hbm>> -> memref<6x128x128xf32, #tpu.memory_space<hbm>>
      %dma_start3A_383 = arith.constant 0 : i32
      %dma_start3A_384 = arith.constant 0 : i32
      %dma_start3A_385 = arith.constant 0 : i32
      %dma_start3A_386 = tpu.memref_slice %arg3[%select_n3A_263, %dma_start3A_377, %select_n3A_279, %dma_start3A_383, %dma_start3A_384, %dma_start3A_385] : memref<8x8x7x6x128x128xf32, #tpu.memory_space<hbm>> -> memref<1x1x1x6x128x128xf32, #tpu.memory_space<hbm>>
      %dma_start3A_387 = tpu.memref_squeeze %dma_start3A_386 : memref<1x1x1x6x128x128xf32, #tpu.memory_space<hbm>> -> memref<6x128x128xf32, #tpu.memory_space<hbm>>
      tpu.enqueue_dma source(%arg4 : memref<6x128x128xf32, #tpu.memory_space<vmem>>) target(%dma_start3A_387 : memref<6x128x128xf32, #tpu.memory_space<hbm>>) target_semaphore(%arg6 : memref<!tpu.dma_semaphore, #tpu.memory_space<semaphore_mem>>)
      %dma_wait3A_388 = arith.constant 0 : i32
      %dma_wait3A_389 = arith.constant 0 : i32
      %dma_wait3A_390 = arith.constant 0 : i32
      %dma_wait3A_391 = arith.constant 0 : i32
      %dma_wait3A_392 = tpu.memref_slice %arg3[%select_n3A_263, %dma_wait3A_388, %select_n3A_279, %dma_wait3A_389, %dma_wait3A_390, %dma_wait3A_391] : memref<8x8x7x6x128x128xf32, #tpu.memory_space<hbm>> -> memref<1x1x1x6x128x128xf32, #tpu.memory_space<hbm>>
      %dma_wait3A_393 = tpu.memref_squeeze %dma_wait3A_392 : memref<1x1x1x6x128x128xf32, #tpu.memory_space<hbm>> -> memref<6x128x128xf32, #tpu.memory_space<hbm>>
      %dma_wait3A_394 = arith.constant 0 : i32
      %dma_wait3A_395 = arith.constant 0 : i32
      %dma_wait3A_396 = arith.constant 0 : i32
      %dma_wait3A_397 = tpu.memref_slice %arg3[%select_n3A_263, %dma_wait3A_388, %select_n3A_279, %dma_wait3A_394, %dma_wait3A_395, %dma_wait3A_396] : memref<8x8x7x6x128x128xf32, #tpu.memory_space<hbm>> -> memref<1x1x1x6x128x128xf32, #tpu.memory_space<hbm>>
      %dma_wait3A_398 = tpu.memref_squeeze %dma_wait3A_397 : memref<1x1x1x6x128x128xf32, #tpu.memory_space<hbm>> -> memref<6x128x128xf32, #tpu.memory_space<hbm>>
      tpu.wait_dma2 semaphore(%arg6 : memref<!tpu.dma_semaphore, #tpu.memory_space<semaphore_mem>>) src(%arg4 : memref<6x128x128xf32, #tpu.memory_space<vmem>>) dst(%dma_wait3A_398 : memref<6x128x128xf32, #tpu.memory_space<hbm>>)
      %dma_wait3A_399 = arith.constant 1 : i32
      %dma_wait3A_400 = arith.constant 0 : i32
      %dma_wait3A_401 = arith.constant 0 : i32
      %dma_wait3A_402 = arith.constant 0 : i32
      %dma_wait3A_403 = tpu.memref_slice %arg3[%select_n3A_263, %dma_wait3A_399, %select_n3A_279, %dma_wait3A_400, %dma_wait3A_401, %dma_wait3A_402] : memref<8x8x7x6x128x128xf32, #tpu.memory_space<hbm>> -> memref<1x1x1x6x128x128xf32, #tpu.memory_space<hbm>>
      %dma_wait3A_404 = tpu.memref_squeeze %dma_wait3A_403 : memref<1x1x1x6x128x128xf32, #tpu.memory_space<hbm>> -> memref<6x128x128xf32, #tpu.memory_space<hbm>>
      %dma_wait3A_405 = arith.constant 0 : i32
      %dma_wait3A_406 = arith.constant 0 : i32
      %dma_wait3A_407 = arith.constant 0 : i32
      %dma_wait3A_408 = tpu.memref_slice %arg3[%select_n3A_263, %dma_wait3A_399, %select_n3A_279, %dma_wait3A_405, %dma_wait3A_406, %dma_wait3A_407] : memref<8x8x7x6x128x128xf32, #tpu.memory_space<hbm>> -> memref<1x1x1x6x128x128xf32, #tpu.memory_space<hbm>>
      %dma_wait3A_409 = tpu.memref_squeeze %dma_wait3A_408 : memref<1x1x1x6x128x128xf32, #tpu.memory_space<hbm>> -> memref<6x128x128xf32, #tpu.memory_space<hbm>>
      tpu.wait_dma2 semaphore(%arg6 : memref<!tpu.dma_semaphore, #tpu.memory_space<semaphore_mem>>) src(%arg4 : memref<6x128x128xf32, #tpu.memory_space<vmem>>) dst(%dma_wait3A_409 : memref<6x128x128xf32, #tpu.memory_space<hbm>>)
      %dma_wait3A_410 = arith.constant 2 : i32
      %dma_wait3A_411 = arith.constant 0 : i32
      %dma_wait3A_412 = arith.constant 0 : i32
      %dma_wait3A_413 = arith.constant 0 : i32
      %dma_wait3A_414 = tpu.memref_slice %arg3[%select_n3A_263, %dma_wait3A_410, %select_n3A_279, %dma_wait3A_411, %dma_wait3A_412, %dma_wait3A_413] : memref<8x8x7x6x128x128xf32, #tpu.memory_space<hbm>> -> memref<1x1x1x6x128x128xf32, #tpu.memory_space<hbm>>
      %dma_wait3A_415 = tpu.memref_squeeze %dma_wait3A_414 : memref<1x1x1x6x128x128xf32, #tpu.memory_space<hbm>> -> memref<6x128x128xf32, #tpu.memory_space<hbm>>
      %dma_wait3A_416 = arith.constant 0 : i32
      %dma_wait3A_417 = arith.constant 0 : i32
      %dma_wait3A_418 = arith.constant 0 : i32
      %dma_wait3A_419 = tpu.memref_slice %arg3[%select_n3A_263, %dma_wait3A_410, %select_n3A_279, %dma_wait3A_416, %dma_wait3A_417, %dma_wait3A_418] : memref<8x8x7x6x128x128xf32, #tpu.memory_space<hbm>> -> memref<1x1x1x6x128x128xf32, #tpu.memory_space<hbm>>
      %dma_wait3A_420 = tpu.memref_squeeze %dma_wait3A_419 : memref<1x1x1x6x128x128xf32, #tpu.memory_space<hbm>> -> memref<6x128x128xf32, #tpu.memory_space<hbm>>
      tpu.wait_dma2 semaphore(%arg6 : memref<!tpu.dma_semaphore, #tpu.memory_space<semaphore_mem>>) src(%arg4 : memref<6x128x128xf32, #tpu.memory_space<vmem>>) dst(%dma_wait3A_420 : memref<6x128x128xf32, #tpu.memory_space<hbm>>)
      %dma_wait3A_421 = arith.constant 3 : i32
      %dma_wait3A_422 = arith.constant 0 : i32
      %dma_wait3A_423 = arith.constant 0 : i32
      %dma_wait3A_424 = arith.constant 0 : i32
      %dma_wait3A_425 = tpu.memref_slice %arg3[%select_n3A_263, %dma_wait3A_421, %select_n3A_279, %dma_wait3A_422, %dma_wait3A_423, %dma_wait3A_424] : memref<8x8x7x6x128x128xf32, #tpu.memory_space<hbm>> -> memref<1x1x1x6x128x128xf32, #tpu.memory_space<hbm>>
      %dma_wait3A_426 = tpu.memref_squeeze %dma_wait3A_425 : memref<1x1x1x6x128x128xf32, #tpu.memory_space<hbm>> -> memref<6x128x128xf32, #tpu.memory_space<hbm>>
      %dma_wait3A_427 = arith.constant 0 : i32
      %dma_wait3A_428 = arith.constant 0 : i32
      %dma_wait3A_429 = arith.constant 0 : i32
      %dma_wait3A_430 = tpu.memref_slice %arg3[%select_n3A_263, %dma_wait3A_421, %select_n3A_279, %dma_wait3A_427, %dma_wait3A_428, %dma_wait3A_429] : memref<8x8x7x6x128x128xf32, #tpu.memory_space<hbm>> -> memref<1x1x1x6x128x128xf32, #tpu.memory_space<hbm>>
      %dma_wait3A_431 = tpu.memref_squeeze %dma_wait3A_430 : memref<1x1x1x6x128x128xf32, #tpu.memory_space<hbm>> -> memref<6x128x128xf32, #tpu.memory_space<hbm>>
      tpu.wait_dma2 semaphore(%arg6 : memref<!tpu.dma_semaphore, #tpu.memory_space<semaphore_mem>>) src(%arg4 : memref<6x128x128xf32, #tpu.memory_space<vmem>>) dst(%dma_wait3A_431 : memref<6x128x128xf32, #tpu.memory_space<hbm>>)
      %dma_wait3A_432 = arith.constant 4 : i32
      %dma_wait3A_433 = arith.constant 0 : i32
      %dma_wait3A_434 = arith.constant 0 : i32
      %dma_wait3A_435 = arith.constant 0 : i32
      %dma_wait3A_436 = tpu.memref_slice %arg3[%select_n3A_263, %dma_wait3A_432, %select_n3A_279, %dma_wait3A_433, %dma_wait3A_434, %dma_wait3A_435] : memref<8x8x7x6x128x128xf32, #tpu.memory_space<hbm>> -> memref<1x1x1x6x128x128xf32, #tpu.memory_space<hbm>>
      %dma_wait3A_437 = tpu.memref_squeeze %dma_wait3A_436 : memref<1x1x1x6x128x128xf32, #tpu.memory_space<hbm>> -> memref<6x128x128xf32, #tpu.memory_space<hbm>>
      %dma_wait3A_438 = arith.constant 0 : i32
      %dma_wait3A_439 = arith.constant 0 : i32
      %dma_wait3A_440 = arith.constant 0 : i32
      %dma_wait3A_441 = tpu.memref_slice %arg3[%select_n3A_263, %dma_wait3A_432, %select_n3A_279, %dma_wait3A_438, %dma_wait3A_439, %dma_wait3A_440] : memref<8x8x7x6x128x128xf32, #tpu.memory_space<hbm>> -> memref<1x1x1x6x128x128xf32, #tpu.memory_space<hbm>>
      %dma_wait3A_442 = tpu.memref_squeeze %dma_wait3A_441 : memref<1x1x1x6x128x128xf32, #tpu.memory_space<hbm>> -> memref<6x128x128xf32, #tpu.memory_space<hbm>>
      tpu.wait_dma2 semaphore(%arg6 : memref<!tpu.dma_semaphore, #tpu.memory_space<semaphore_mem>>) src(%arg4 : memref<6x128x128xf32, #tpu.memory_space<vmem>>) dst(%dma_wait3A_442 : memref<6x128x128xf32, #tpu.memory_space<hbm>>)
      %dma_wait3A_443 = arith.constant 5 : i32
      %dma_wait3A_444 = arith.constant 0 : i32
      %dma_wait3A_445 = arith.constant 0 : i32
      %dma_wait3A_446 = arith.constant 0 : i32
      %dma_wait3A_447 = tpu.memref_slice %arg3[%select_n3A_263, %dma_wait3A_443, %select_n3A_279, %dma_wait3A_444, %dma_wait3A_445, %dma_wait3A_446] : memref<8x8x7x6x128x128xf32, #tpu.memory_space<hbm>> -> memref<1x1x1x6x128x128xf32, #tpu.memory_space<hbm>>
      %dma_wait3A_448 = tpu.memref_squeeze %dma_wait3A_447 : memref<1x1x1x6x128x128xf32, #tpu.memory_space<hbm>> -> memref<6x128x128xf32, #tpu.memory_space<hbm>>
      %dma_wait3A_449 = arith.constant 0 : i32
      %dma_wait3A_450 = arith.constant 0 : i32
      %dma_wait3A_451 = arith.constant 0 : i32
      %dma_wait3A_452 = tpu.memref_slice %arg3[%select_n3A_263, %dma_wait3A_443, %select_n3A_279, %dma_wait3A_449, %dma_wait3A_450, %dma_wait3A_451] : memref<8x8x7x6x128x128xf32, #tpu.memory_space<hbm>> -> memref<1x1x1x6x128x128xf32, #tpu.memory_space<hbm>>
      %dma_wait3A_453 = tpu.memref_squeeze %dma_wait3A_452 : memref<1x1x1x6x128x128xf32, #tpu.memory_space<hbm>> -> memref<6x128x128xf32, #tpu.memory_space<hbm>>
      tpu.wait_dma2 semaphore(%arg6 : memref<!tpu.dma_semaphore, #tpu.memory_space<semaphore_mem>>) src(%arg4 : memref<6x128x128xf32, #tpu.memory_space<vmem>>) dst(%dma_wait3A_453 : memref<6x128x128xf32, #tpu.memory_space<hbm>>)
      %dma_wait3A_454 = arith.constant 6 : i32
      %dma_wait3A_455 = arith.constant 0 : i32
      %dma_wait3A_456 = arith.constant 0 : i32
      %dma_wait3A_457 = arith.constant 0 : i32
      %dma_wait3A_458 = tpu.memref_slice %arg3[%select_n3A_263, %dma_wait3A_454, %select_n3A_279, %dma_wait3A_455, %dma_wait3A_456, %dma_wait3A_457] : memref<8x8x7x6x128x128xf32, #tpu.memory_space<hbm>> -> memref<1x1x1x6x128x128xf32, #tpu.memory_space<hbm>>
      %dma_wait3A_459 = tpu.memref_squeeze %dma_wait3A_458 : memref<1x1x1x6x128x128xf32, #tpu.memory_space<hbm>> -> memref<6x128x128xf32, #tpu.memory_space<hbm>>
      %dma_wait3A_460 = arith.constant 0 : i32
      %dma_wait3A_461 = arith.constant 0 : i32
      %dma_wait3A_462 = arith.constant 0 : i32
      %dma_wait3A_463 = tpu.memref_slice %arg3[%select_n3A_263, %dma_wait3A_454, %select_n3A_279, %dma_wait3A_460, %dma_wait3A_461, %dma_wait3A_462] : memref<8x8x7x6x128x128xf32, #tpu.memory_space<hbm>> -> memref<1x1x1x6x128x128xf32, #tpu.memory_space<hbm>>
      %dma_wait3A_464 = tpu.memref_squeeze %dma_wait3A_463 : memref<1x1x1x6x128x128xf32, #tpu.memory_space<hbm>> -> memref<6x128x128xf32, #tpu.memory_space<hbm>>
      tpu.wait_dma2 semaphore(%arg6 : memref<!tpu.dma_semaphore, #tpu.memory_space<semaphore_mem>>) src(%arg4 : memref<6x128x128xf32, #tpu.memory_space<vmem>>) dst(%dma_wait3A_464 : memref<6x128x128xf32, #tpu.memory_space<hbm>>)
      %dma_wait3A_465 = arith.constant 7 : i32
      %dma_wait3A_466 = arith.constant 0 : i32
      %dma_wait3A_467 = arith.constant 0 : i32
      %dma_wait3A_468 = arith.constant 0 : i32
      %dma_wait3A_469 = tpu.memref_slice %arg3[%select_n3A_263, %dma_wait3A_465, %select_n3A_279, %dma_wait3A_466, %dma_wait3A_467, %dma_wait3A_468] : memref<8x8x7x6x128x128xf32, #tpu.memory_space<hbm>> -> memref<1x1x1x6x128x128xf32, #tpu.memory_space<hbm>>
      %dma_wait3A_470 = tpu.memref_squeeze %dma_wait3A_469 : memref<1x1x1x6x128x128xf32, #tpu.memory_space<hbm>> -> memref<6x128x128xf32, #tpu.memory_space<hbm>>
      %dma_wait3A_471 = arith.constant 0 : i32
      %dma_wait3A_472 = arith.constant 0 : i32
      %dma_wait3A_473 = arith.constant 0 : i32
      %dma_wait3A_474 = tpu.memref_slice %arg3[%select_n3A_263, %dma_wait3A_465, %select_n3A_279, %dma_wait3A_471, %dma_wait3A_472, %dma_wait3A_473] : memref<8x8x7x6x128x128xf32, #tpu.memory_space<hbm>> -> memref<1x1x1x6x128x128xf32, #tpu.memory_space<hbm>>
      %dma_wait3A_475 = tpu.memref_squeeze %dma_wait3A_474 : memref<1x1x1x6x128x128xf32, #tpu.memory_space<hbm>> -> memref<6x128x128xf32, #tpu.memory_space<hbm>>
      tpu.wait_dma2 semaphore(%arg6 : memref<!tpu.dma_semaphore, #tpu.memory_space<semaphore_mem>>) src(%arg4 : memref<6x128x128xf32, #tpu.memory_space<vmem>>) dst(%dma_wait3A_475 : memref<6x128x128xf32, #tpu.memory_space<hbm>>)
    } else {
    }
    %ge3A = arith.constant 16 : i32
    %ge3A_3 = arith.cmpi sge, %add3A, %ge3A : i32
    %convert_element_type3A_4 = arith.extui %ge3A_3 : i1 to i32
    %cond3A_5 = arith.constant 0 : i32
    %cond3A_6 = arith.cmpi ne, %convert_element_type3A_4, %cond3A_5 : i32
    scf.if %cond3A_6 {
      %sub3A = arith.constant 16 : i32
      %sub3A_7 = arith.subi %add3A, %sub3A : i32
      %add3A_8 = arith.constant 32 : i32
      %add3A_9 = arith.addi %add3A_8, %sub3A_7 : i32
      %jit3A = arith.constant 6 : i32
      %div3A = arith.divsi %add3A_9, %jit3A : i32
      %sign3A = arith.constant 0 : i32
      %sign3A_10 = arith.cmpi sgt, %add3A_9, %sign3A : i32
      %sign3A_11 = arith.extui %sign3A_10 : i1 to i32
      %sign3A_12 = arith.constant 0 : i32
      %sign3A_13 = arith.cmpi slt, %add3A_9, %sign3A_12 : i32
      %sign3A_14 = arith.extui %sign3A_13 : i1 to i32
      %sign3A_15 = arith.subi %sign3A_11, %sign3A_14 : i32
      %sign3A_16 = arith.constant 0 : i32
      %sign3A_17 = arith.cmpi sgt, %jit3A, %sign3A_16 : i32
      %sign3A_18 = arith.extui %sign3A_17 : i1 to i32
      %sign3A_19 = arith.constant 0 : i32
      %sign3A_20 = arith.cmpi slt, %jit3A, %sign3A_19 : i32
      %sign3A_21 = arith.extui %sign3A_20 : i1 to i32
      %sign3A_22 = arith.subi %sign3A_18, %sign3A_21 : i32
      %ne3A = arith.cmpi ne, %sign3A_15, %sign3A_22 : i32
      %rem3A = arith.remsi %add3A_9, %jit3A : i32
      %ne3A_23 = arith.constant 0 : i32
      %ne3A_24 = arith.cmpi ne, %rem3A, %ne3A_23 : i32
      %and3A = arith.andi %ne3A, %ne3A_24 : i1
      %sub3A_25 = arith.constant 1 : i32
      %sub3A_26 = arith.subi %div3A, %sub3A_25 : i32
      %select_n3A = arith.select %and3A, %sub3A_26, %div3A : i32
      %jit3A_27 = arith.constant 6 : i32
      %eq3A = arith.constant 0 : i32
      %eq3A_28 = arith.cmpi eq, %jit3A_27, %eq3A : i32
      %jit3A_29 = arith.constant 1 : i32
      %select_n3A_30 = arith.select %eq3A_28, %jit3A_29, %jit3A_27 : i32
      %rem3A_31 = arith.remsi %add3A_9, %select_n3A_30 : i32
      %ne3A_32 = arith.constant 0 : i32
      %ne3A_33 = arith.cmpi ne, %rem3A_31, %ne3A_32 : i32
      %lt3A_34 = arith.constant 0 : i32
      %lt3A_35 = arith.cmpi slt, %rem3A_31, %lt3A_34 : i32
      %lt3A_36 = arith.constant 0 : i32
      %lt3A_37 = arith.cmpi slt, %select_n3A_30, %lt3A_36 : i32
      %ne3A_38 = arith.xori %lt3A_35, %lt3A_37 : i1
      %and3A_39 = arith.andi %ne3A_38, %ne3A_33 : i1
      %add3A_40 = arith.addi %rem3A_31, %select_n3A_30 : i32
      %select_n3A_41 = arith.select %and3A_39, %add3A_40, %rem3A_31 : i32
      %dma_start3A = arith.constant 0 : i32
      %dma_start3A_42 = arith.constant 0 : i32
      %dma_start3A_43 = arith.constant 0 : i32
      %dma_start3A_44 = tpu.memref_slice %arg2[%select_n3A, %select_n3A_41, %dma_start3A, %dma_start3A_42, %dma_start3A_43] : memref<8x14x6x128x128xf32, #tpu.memory_space<hbm>> -> memref<1x1x6x128x128xf32, #tpu.memory_space<hbm>>
      %dma_start3A_45 = tpu.memref_squeeze %dma_start3A_44 : memref<1x1x6x128x128xf32, #tpu.memory_space<hbm>> -> memref<6x128x128xf32, #tpu.memory_space<hbm>>
      %dma_start3A_46 = arith.constant 0 : i32
      %dma_start3A_47 = arith.constant 0 : i32
      %dma_start3A_48 = arith.constant 0 : i32
      %dma_start3A_49 = tpu.memref_slice %arg2[%select_n3A, %select_n3A_41, %dma_start3A_46, %dma_start3A_47, %dma_start3A_48] : memref<8x14x6x128x128xf32, #tpu.memory_space<hbm>> -> memref<1x1x6x128x128xf32, #tpu.memory_space<hbm>>
      %dma_start3A_50 = tpu.memref_squeeze %dma_start3A_49 : memref<1x1x6x128x128xf32, #tpu.memory_space<hbm>> -> memref<6x128x128xf32, #tpu.memory_space<hbm>>
      tpu.enqueue_dma source(%dma_start3A_50 : memref<6x128x128xf32, #tpu.memory_space<hbm>>) target(%arg4 : memref<6x128x128xf32, #tpu.memory_space<vmem>>) target_semaphore(%arg5 : memref<!tpu.dma_semaphore, #tpu.memory_space<semaphore_mem>>)
      %dma_wait3A = arith.constant 0 : i32
      %dma_wait3A_51 = arith.constant 0 : i32
      %dma_wait3A_52 = arith.constant 0 : i32
      %dma_wait3A_53 = tpu.memref_slice %arg2[%select_n3A, %select_n3A_41, %dma_wait3A, %dma_wait3A_51, %dma_wait3A_52] : memref<8x14x6x128x128xf32, #tpu.memory_space<hbm>> -> memref<1x1x6x128x128xf32, #tpu.memory_space<hbm>>
      %dma_wait3A_54 = tpu.memref_squeeze %dma_wait3A_53 : memref<1x1x6x128x128xf32, #tpu.memory_space<hbm>> -> memref<6x128x128xf32, #tpu.memory_space<hbm>>
      %dma_wait3A_55 = arith.constant 0 : i32
      %dma_wait3A_56 = arith.constant 0 : i32
      %dma_wait3A_57 = arith.constant 0 : i32
      %dma_wait3A_58 = tpu.memref_slice %arg2[%select_n3A, %select_n3A_41, %dma_wait3A_55, %dma_wait3A_56, %dma_wait3A_57] : memref<8x14x6x128x128xf32, #tpu.memory_space<hbm>> -> memref<1x1x6x128x128xf32, #tpu.memory_space<hbm>>
      %dma_wait3A_59 = tpu.memref_squeeze %dma_wait3A_58 : memref<1x1x6x128x128xf32, #tpu.memory_space<hbm>> -> memref<6x128x128xf32, #tpu.memory_space<hbm>>
      tpu.wait_dma2 semaphore(%arg5 : memref<!tpu.dma_semaphore, #tpu.memory_space<semaphore_mem>>) src(%dma_wait3A_59 : memref<6x128x128xf32, #tpu.memory_space<hbm>>) dst(%arg4 : memref<6x128x128xf32, #tpu.memory_space<vmem>>)
      %dma_start3A_60 = arith.constant 0 : i32
      %dma_start3A_61 = arith.constant 0 : i32
      %dma_start3A_62 = arith.constant 0 : i32
      %dma_start3A_63 = arith.constant 0 : i32
      %dma_start3A_64 = tpu.memref_slice %arg3[%select_n3A, %dma_start3A_60, %select_n3A_41, %dma_start3A_61, %dma_start3A_62, %dma_start3A_63] : memref<8x8x7x6x128x128xf32, #tpu.memory_space<hbm>> -> memref<1x1x1x6x128x128xf32, #tpu.memory_space<hbm>>
      %dma_start3A_65 = tpu.memref_squeeze %dma_start3A_64 : memref<1x1x1x6x128x128xf32, #tpu.memory_space<hbm>> -> memref<6x128x128xf32, #tpu.memory_space<hbm>>
      %dma_start3A_66 = arith.constant 0 : i32
      %dma_start3A_67 = arith.constant 0 : i32
      %dma_start3A_68 = arith.constant 0 : i32
      %dma_start3A_69 = tpu.memref_slice %arg3[%select_n3A, %dma_start3A_60, %select_n3A_41, %dma_start3A_66, %dma_start3A_67, %dma_start3A_68] : memref<8x8x7x6x128x128xf32, #tpu.memory_space<hbm>> -> memref<1x1x1x6x128x128xf32, #tpu.memory_space<hbm>>
      %dma_start3A_70 = tpu.memref_squeeze %dma_start3A_69 : memref<1x1x1x6x128x128xf32, #tpu.memory_space<hbm>> -> memref<6x128x128xf32, #tpu.memory_space<hbm>>
      tpu.enqueue_dma source(%arg4 : memref<6x128x128xf32, #tpu.memory_space<vmem>>) target(%dma_start3A_70 : memref<6x128x128xf32, #tpu.memory_space<hbm>>) target_semaphore(%arg6 : memref<!tpu.dma_semaphore, #tpu.memory_space<semaphore_mem>>)
      %dma_start3A_71 = arith.constant 1 : i32
      %dma_start3A_72 = arith.constant 0 : i32
      %dma_start3A_73 = arith.constant 0 : i32
      %dma_start3A_74 = arith.constant 0 : i32
      %dma_start3A_75 = tpu.memref_slice %arg3[%select_n3A, %dma_start3A_71, %select_n3A_41, %dma_start3A_72, %dma_start3A_73, %dma_start3A_74] : memref<8x8x7x6x128x128xf32, #tpu.memory_space<hbm>> -> memref<1x1x1x6x128x128xf32, #tpu.memory_space<hbm>>
      %dma_start3A_76 = tpu.memref_squeeze %dma_start3A_75 : memref<1x1x1x6x128x128xf32, #tpu.memory_space<hbm>> -> memref<6x128x128xf32, #tpu.memory_space<hbm>>
      %dma_start3A_77 = arith.constant 0 : i32
      %dma_start3A_78 = arith.constant 0 : i32
      %dma_start3A_79 = arith.constant 0 : i32
      %dma_start3A_80 = tpu.memref_slice %arg3[%select_n3A, %dma_start3A_71, %select_n3A_41, %dma_start3A_77, %dma_start3A_78, %dma_start3A_79] : memref<8x8x7x6x128x128xf32, #tpu.memory_space<hbm>> -> memref<1x1x1x6x128x128xf32, #tpu.memory_space<hbm>>
      %dma_start3A_81 = tpu.memref_squeeze %dma_start3A_80 : memref<1x1x1x6x128x128xf32, #tpu.memory_space<hbm>> -> memref<6x128x128xf32, #tpu.memory_space<hbm>>
      tpu.enqueue_dma source(%arg4 : memref<6x128x128xf32, #tpu.memory_space<vmem>>) target(%dma_start3A_81 : memref<6x128x128xf32, #tpu.memory_space<hbm>>) target_semaphore(%arg6 : memref<!tpu.dma_semaphore, #tpu.memory_space<semaphore_mem>>)
      %dma_start3A_82 = arith.constant 2 : i32
      %dma_start3A_83 = arith.constant 0 : i32
      %dma_start3A_84 = arith.constant 0 : i32
      %dma_start3A_85 = arith.constant 0 : i32
      %dma_start3A_86 = tpu.memref_slice %arg3[%select_n3A, %dma_start3A_82, %select_n3A_41, %dma_start3A_83, %dma_start3A_84, %dma_start3A_85] : memref<8x8x7x6x128x128xf32, #tpu.memory_space<hbm>> -> memref<1x1x1x6x128x128xf32, #tpu.memory_space<hbm>>
      %dma_start3A_87 = tpu.memref_squeeze %dma_start3A_86 : memref<1x1x1x6x128x128xf32, #tpu.memory_space<hbm>> -> memref<6x128x128xf32, #tpu.memory_space<hbm>>
      %dma_start3A_88 = arith.constant 0 : i32
      %dma_start3A_89 = arith.constant 0 : i32
      %dma_start3A_90 = arith.constant 0 : i32
      %dma_start3A_91 = tpu.memref_slice %arg3[%select_n3A, %dma_start3A_82, %select_n3A_41, %dma_start3A_88, %dma_start3A_89, %dma_start3A_90] : memref<8x8x7x6x128x128xf32, #tpu.memory_space<hbm>> -> memref<1x1x1x6x128x128xf32, #tpu.memory_space<hbm>>
      %dma_start3A_92 = tpu.memref_squeeze %dma_start3A_91 : memref<1x1x1x6x128x128xf32, #tpu.memory_space<hbm>> -> memref<6x128x128xf32, #tpu.memory_space<hbm>>
      tpu.enqueue_dma source(%arg4 : memref<6x128x128xf32, #tpu.memory_space<vmem>>) target(%dma_start3A_92 : memref<6x128x128xf32, #tpu.memory_space<hbm>>) target_semaphore(%arg6 : memref<!tpu.dma_semaphore, #tpu.memory_space<semaphore_mem>>)
      %dma_start3A_93 = arith.constant 3 : i32
      %dma_start3A_94 = arith.constant 0 : i32
      %dma_start3A_95 = arith.constant 0 : i32
      %dma_start3A_96 = arith.constant 0 : i32
      %dma_start3A_97 = tpu.memref_slice %arg3[%select_n3A, %dma_start3A_93, %select_n3A_41, %dma_start3A_94, %dma_start3A_95, %dma_start3A_96] : memref<8x8x7x6x128x128xf32, #tpu.memory_space<hbm>> -> memref<1x1x1x6x128x128xf32, #tpu.memory_space<hbm>>
      %dma_start3A_98 = tpu.memref_squeeze %dma_start3A_97 : memref<1x1x1x6x128x128xf32, #tpu.memory_space<hbm>> -> memref<6x128x128xf32, #tpu.memory_space<hbm>>
      %dma_start3A_99 = arith.constant 0 : i32
      %dma_start3A_100 = arith.constant 0 : i32
      %dma_start3A_101 = arith.constant 0 : i32
      %dma_start3A_102 = tpu.memref_slice %arg3[%select_n3A, %dma_start3A_93, %select_n3A_41, %dma_start3A_99, %dma_start3A_100, %dma_start3A_101] : memref<8x8x7x6x128x128xf32, #tpu.memory_space<hbm>> -> memref<1x1x1x6x128x128xf32, #tpu.memory_space<hbm>>
      %dma_start3A_103 = tpu.memref_squeeze %dma_start3A_102 : memref<1x1x1x6x128x128xf32, #tpu.memory_space<hbm>> -> memref<6x128x128xf32, #tpu.memory_space<hbm>>
      tpu.enqueue_dma source(%arg4 : memref<6x128x128xf32, #tpu.memory_space<vmem>>) target(%dma_start3A_103 : memref<6x128x128xf32, #tpu.memory_space<hbm>>) target_semaphore(%arg6 : memref<!tpu.dma_semaphore, #tpu.memory_space<semaphore_mem>>)
      %dma_start3A_104 = arith.constant 4 : i32
      %dma_start3A_105 = arith.constant 0 : i32
      %dma_start3A_106 = arith.constant 0 : i32
      %dma_start3A_107 = arith.constant 0 : i32
      %dma_start3A_108 = tpu.memref_slice %arg3[%select_n3A, %dma_start3A_104, %select_n3A_41, %dma_start3A_105, %dma_start3A_106, %dma_start3A_107] : memref<8x8x7x6x128x128xf32, #tpu.memory_space<hbm>> -> memref<1x1x1x6x128x128xf32, #tpu.memory_space<hbm>>
      %dma_start3A_109 = tpu.memref_squeeze %dma_start3A_108 : memref<1x1x1x6x128x128xf32, #tpu.memory_space<hbm>> -> memref<6x128x128xf32, #tpu.memory_space<hbm>>
      %dma_start3A_110 = arith.constant 0 : i32
      %dma_start3A_111 = arith.constant 0 : i32
      %dma_start3A_112 = arith.constant 0 : i32
      %dma_start3A_113 = tpu.memref_slice %arg3[%select_n3A, %dma_start3A_104, %select_n3A_41, %dma_start3A_110, %dma_start3A_111, %dma_start3A_112] : memref<8x8x7x6x128x128xf32, #tpu.memory_space<hbm>> -> memref<1x1x1x6x128x128xf32, #tpu.memory_space<hbm>>
      %dma_start3A_114 = tpu.memref_squeeze %dma_start3A_113 : memref<1x1x1x6x128x128xf32, #tpu.memory_space<hbm>> -> memref<6x128x128xf32, #tpu.memory_space<hbm>>
      tpu.enqueue_dma source(%arg4 : memref<6x128x128xf32, #tpu.memory_space<vmem>>) target(%dma_start3A_114 : memref<6x128x128xf32, #tpu.memory_space<hbm>>) target_semaphore(%arg6 : memref<!tpu.dma_semaphore, #tpu.memory_space<semaphore_mem>>)
      %dma_start3A_115 = arith.constant 5 : i32
      %dma_start3A_116 = arith.constant 0 : i32
      %dma_start3A_117 = arith.constant 0 : i32
      %dma_start3A_118 = arith.constant 0 : i32
      %dma_start3A_119 = tpu.memref_slice %arg3[%select_n3A, %dma_start3A_115, %select_n3A_41, %dma_start3A_116, %dma_start3A_117, %dma_start3A_118] : memref<8x8x7x6x128x128xf32, #tpu.memory_space<hbm>> -> memref<1x1x1x6x128x128xf32, #tpu.memory_space<hbm>>
      %dma_start3A_120 = tpu.memref_squeeze %dma_start3A_119 : memref<1x1x1x6x128x128xf32, #tpu.memory_space<hbm>> -> memref<6x128x128xf32, #tpu.memory_space<hbm>>
      %dma_start3A_121 = arith.constant 0 : i32
      %dma_start3A_122 = arith.constant 0 : i32
      %dma_start3A_123 = arith.constant 0 : i32
      %dma_start3A_124 = tpu.memref_slice %arg3[%select_n3A, %dma_start3A_115, %select_n3A_41, %dma_start3A_121, %dma_start3A_122, %dma_start3A_123] : memref<8x8x7x6x128x128xf32, #tpu.memory_space<hbm>> -> memref<1x1x1x6x128x128xf32, #tpu.memory_space<hbm>>
      %dma_start3A_125 = tpu.memref_squeeze %dma_start3A_124 : memref<1x1x1x6x128x128xf32, #tpu.memory_space<hbm>> -> memref<6x128x128xf32, #tpu.memory_space<hbm>>
      tpu.enqueue_dma source(%arg4 : memref<6x128x128xf32, #tpu.memory_space<vmem>>) target(%dma_start3A_125 : memref<6x128x128xf32, #tpu.memory_space<hbm>>) target_semaphore(%arg6 : memref<!tpu.dma_semaphore, #tpu.memory_space<semaphore_mem>>)
      %dma_start3A_126 = arith.constant 6 : i32
      %dma_start3A_127 = arith.constant 0 : i32
      %dma_start3A_128 = arith.constant 0 : i32
      %dma_start3A_129 = arith.constant 0 : i32
      %dma_start3A_130 = tpu.memref_slice %arg3[%select_n3A, %dma_start3A_126, %select_n3A_41, %dma_start3A_127, %dma_start3A_128, %dma_start3A_129] : memref<8x8x7x6x128x128xf32, #tpu.memory_space<hbm>> -> memref<1x1x1x6x128x128xf32, #tpu.memory_space<hbm>>
      %dma_start3A_131 = tpu.memref_squeeze %dma_start3A_130 : memref<1x1x1x6x128x128xf32, #tpu.memory_space<hbm>> -> memref<6x128x128xf32, #tpu.memory_space<hbm>>
      %dma_start3A_132 = arith.constant 0 : i32
      %dma_start3A_133 = arith.constant 0 : i32
      %dma_start3A_134 = arith.constant 0 : i32
      %dma_start3A_135 = tpu.memref_slice %arg3[%select_n3A, %dma_start3A_126, %select_n3A_41, %dma_start3A_132, %dma_start3A_133, %dma_start3A_134] : memref<8x8x7x6x128x128xf32, #tpu.memory_space<hbm>> -> memref<1x1x1x6x128x128xf32, #tpu.memory_space<hbm>>
      %dma_start3A_136 = tpu.memref_squeeze %dma_start3A_135 : memref<1x1x1x6x128x128xf32, #tpu.memory_space<hbm>> -> memref<6x128x128xf32, #tpu.memory_space<hbm>>
      tpu.enqueue_dma source(%arg4 : memref<6x128x128xf32, #tpu.memory_space<vmem>>) target(%dma_start3A_136 : memref<6x128x128xf32, #tpu.memory_space<hbm>>) target_semaphore(%arg6 : memref<!tpu.dma_semaphore, #tpu.memory_space<semaphore_mem>>)
      %dma_start3A_137 = arith.constant 7 : i32
      %dma_start3A_138 = arith.constant 0 : i32
      %dma_start3A_139 = arith.constant 0 : i32
      %dma_start3A_140 = arith.constant 0 : i32
      %dma_start3A_141 = tpu.memref_slice %arg3[%select_n3A, %dma_start3A_137, %select_n3A_41, %dma_start3A_138, %dma_start3A_139, %dma_start3A_140] : memref<8x8x7x6x128x128xf32, #tpu.memory_space<hbm>> -> memref<1x1x1x6x128x128xf32, #tpu.memory_space<hbm>>
      %dma_start3A_142 = tpu.memref_squeeze %dma_start3A_141 : memref<1x1x1x6x128x128xf32, #tpu.memory_space<hbm>> -> memref<6x128x128xf32, #tpu.memory_space<hbm>>
      %dma_start3A_143 = arith.constant 0 : i32
      %dma_start3A_144 = arith.constant 0 : i32
      %dma_start3A_145 = arith.constant 0 : i32
      %dma_start3A_146 = tpu.memref_slice %arg3[%select_n3A, %dma_start3A_137, %select_n3A_41, %dma_start3A_143, %dma_start3A_144, %dma_start3A_145] : memref<8x8x7x6x128x128xf32, #tpu.memory_space<hbm>> -> memref<1x1x1x6x128x128xf32, #tpu.memory_space<hbm>>
      %dma_start3A_147 = tpu.memref_squeeze %dma_start3A_146 : memref<1x1x1x6x128x128xf32, #tpu.memory_space<hbm>> -> memref<6x128x128xf32, #tpu.memory_space<hbm>>
      tpu.enqueue_dma source(%arg4 : memref<6x128x128xf32, #tpu.memory_space<vmem>>) target(%dma_start3A_147 : memref<6x128x128xf32, #tpu.memory_space<hbm>>) target_semaphore(%arg6 : memref<!tpu.dma_semaphore, #tpu.memory_space<semaphore_mem>>)
      %dma_wait3A_148 = arith.constant 0 : i32
      %dma_wait3A_149 = arith.constant 0 : i32
      %dma_wait3A_150 = arith.constant 0 : i32
      %dma_wait3A_151 = arith.constant 0 : i32
      %dma_wait3A_152 = tpu.memref_slice %arg3[%select_n3A, %dma_wait3A_148, %select_n3A_41, %dma_wait3A_149, %dma_wait3A_150, %dma_wait3A_151] : memref<8x8x7x6x128x128xf32, #tpu.memory_space<hbm>> -> memref<1x1x1x6x128x128xf32, #tpu.memory_space<hbm>>
      %dma_wait3A_153 = tpu.memref_squeeze %dma_wait3A_152 : memref<1x1x1x6x128x128xf32, #tpu.memory_space<hbm>> -> memref<6x128x128xf32, #tpu.memory_space<hbm>>
      %dma_wait3A_154 = arith.constant 0 : i32
      %dma_wait3A_155 = arith.constant 0 : i32
      %dma_wait3A_156 = arith.constant 0 : i32
      %dma_wait3A_157 = tpu.memref_slice %arg3[%select_n3A, %dma_wait3A_148, %select_n3A_41, %dma_wait3A_154, %dma_wait3A_155, %dma_wait3A_156] : memref<8x8x7x6x128x128xf32, #tpu.memory_space<hbm>> -> memref<1x1x1x6x128x128xf32, #tpu.memory_space<hbm>>
      %dma_wait3A_158 = tpu.memref_squeeze %dma_wait3A_157 : memref<1x1x1x6x128x128xf32, #tpu.memory_space<hbm>> -> memref<6x128x128xf32, #tpu.memory_space<hbm>>
      tpu.wait_dma2 semaphore(%arg6 : memref<!tpu.dma_semaphore, #tpu.memory_space<semaphore_mem>>) src(%arg4 : memref<6x128x128xf32, #tpu.memory_space<vmem>>) dst(%dma_wait3A_158 : memref<6x128x128xf32, #tpu.memory_space<hbm>>)
      %dma_wait3A_159 = arith.constant 1 : i32
      %dma_wait3A_160 = arith.constant 0 : i32
      %dma_wait3A_161 = arith.constant 0 : i32
      %dma_wait3A_162 = arith.constant 0 : i32
      %dma_wait3A_163 = tpu.memref_slice %arg3[%select_n3A, %dma_wait3A_159, %select_n3A_41, %dma_wait3A_160, %dma_wait3A_161, %dma_wait3A_162] : memref<8x8x7x6x128x128xf32, #tpu.memory_space<hbm>> -> memref<1x1x1x6x128x128xf32, #tpu.memory_space<hbm>>
      %dma_wait3A_164 = tpu.memref_squeeze %dma_wait3A_163 : memref<1x1x1x6x128x128xf32, #tpu.memory_space<hbm>> -> memref<6x128x128xf32, #tpu.memory_space<hbm>>
      %dma_wait3A_165 = arith.constant 0 : i32
      %dma_wait3A_166 = arith.constant 0 : i32
      %dma_wait3A_167 = arith.constant 0 : i32
      %dma_wait3A_168 = tpu.memref_slice %arg3[%select_n3A, %dma_wait3A_159, %select_n3A_41, %dma_wait3A_165, %dma_wait3A_166, %dma_wait3A_167] : memref<8x8x7x6x128x128xf32, #tpu.memory_space<hbm>> -> memref<1x1x1x6x128x128xf32, #tpu.memory_space<hbm>>
      %dma_wait3A_169 = tpu.memref_squeeze %dma_wait3A_168 : memref<1x1x1x6x128x128xf32, #tpu.memory_space<hbm>> -> memref<6x128x128xf32, #tpu.memory_space<hbm>>
      tpu.wait_dma2 semaphore(%arg6 : memref<!tpu.dma_semaphore, #tpu.memory_space<semaphore_mem>>) src(%arg4 : memref<6x128x128xf32, #tpu.memory_space<vmem>>) dst(%dma_wait3A_169 : memref<6x128x128xf32, #tpu.memory_space<hbm>>)
      %dma_wait3A_170 = arith.constant 2 : i32
      %dma_wait3A_171 = arith.constant 0 : i32
      %dma_wait3A_172 = arith.constant 0 : i32
      %dma_wait3A_173 = arith.constant 0 : i32
      %dma_wait3A_174 = tpu.memref_slice %arg3[%select_n3A, %dma_wait3A_170, %select_n3A_41, %dma_wait3A_171, %dma_wait3A_172, %dma_wait3A_173] : memref<8x8x7x6x128x128xf32, #tpu.memory_space<hbm>> -> memref<1x1x1x6x128x128xf32, #tpu.memory_space<hbm>>
      %dma_wait3A_175 = tpu.memref_squeeze %dma_wait3A_174 : memref<1x1x1x6x128x128xf32, #tpu.memory_space<hbm>> -> memref<6x128x128xf32, #tpu.memory_space<hbm>>
      %dma_wait3A_176 = arith.constant 0 : i32
      %dma_wait3A_177 = arith.constant 0 : i32
      %dma_wait3A_178 = arith.constant 0 : i32
      %dma_wait3A_179 = tpu.memref_slice %arg3[%select_n3A, %dma_wait3A_170, %select_n3A_41, %dma_wait3A_176, %dma_wait3A_177, %dma_wait3A_178] : memref<8x8x7x6x128x128xf32, #tpu.memory_space<hbm>> -> memref<1x1x1x6x128x128xf32, #tpu.memory_space<hbm>>
      %dma_wait3A_180 = tpu.memref_squeeze %dma_wait3A_179 : memref<1x1x1x6x128x128xf32, #tpu.memory_space<hbm>> -> memref<6x128x128xf32, #tpu.memory_space<hbm>>
      tpu.wait_dma2 semaphore(%arg6 : memref<!tpu.dma_semaphore, #tpu.memory_space<semaphore_mem>>) src(%arg4 : memref<6x128x128xf32, #tpu.memory_space<vmem>>) dst(%dma_wait3A_180 : memref<6x128x128xf32, #tpu.memory_space<hbm>>)
      %dma_wait3A_181 = arith.constant 3 : i32
      %dma_wait3A_182 = arith.constant 0 : i32
      %dma_wait3A_183 = arith.constant 0 : i32
      %dma_wait3A_184 = arith.constant 0 : i32
      %dma_wait3A_185 = tpu.memref_slice %arg3[%select_n3A, %dma_wait3A_181, %select_n3A_41, %dma_wait3A_182, %dma_wait3A_183, %dma_wait3A_184] : memref<8x8x7x6x128x128xf32, #tpu.memory_space<hbm>> -> memref<1x1x1x6x128x128xf32, #tpu.memory_space<hbm>>
      %dma_wait3A_186 = tpu.memref_squeeze %dma_wait3A_185 : memref<1x1x1x6x128x128xf32, #tpu.memory_space<hbm>> -> memref<6x128x128xf32, #tpu.memory_space<hbm>>
      %dma_wait3A_187 = arith.constant 0 : i32
      %dma_wait3A_188 = arith.constant 0 : i32
      %dma_wait3A_189 = arith.constant 0 : i32
      %dma_wait3A_190 = tpu.memref_slice %arg3[%select_n3A, %dma_wait3A_181, %select_n3A_41, %dma_wait3A_187, %dma_wait3A_188, %dma_wait3A_189] : memref<8x8x7x6x128x128xf32, #tpu.memory_space<hbm>> -> memref<1x1x1x6x128x128xf32, #tpu.memory_space<hbm>>
      %dma_wait3A_191 = tpu.memref_squeeze %dma_wait3A_190 : memref<1x1x1x6x128x128xf32, #tpu.memory_space<hbm>> -> memref<6x128x128xf32, #tpu.memory_space<hbm>>
      tpu.wait_dma2 semaphore(%arg6 : memref<!tpu.dma_semaphore, #tpu.memory_space<semaphore_mem>>) src(%arg4 : memref<6x128x128xf32, #tpu.memory_space<vmem>>) dst(%dma_wait3A_191 : memref<6x128x128xf32, #tpu.memory_space<hbm>>)
      %dma_wait3A_192 = arith.constant 4 : i32
      %dma_wait3A_193 = arith.constant 0 : i32
      %dma_wait3A_194 = arith.constant 0 : i32
      %dma_wait3A_195 = arith.constant 0 : i32
      %dma_wait3A_196 = tpu.memref_slice %arg3[%select_n3A, %dma_wait3A_192, %select_n3A_41, %dma_wait3A_193, %dma_wait3A_194, %dma_wait3A_195] : memref<8x8x7x6x128x128xf32, #tpu.memory_space<hbm>> -> memref<1x1x1x6x128x128xf32, #tpu.memory_space<hbm>>
      %dma_wait3A_197 = tpu.memref_squeeze %dma_wait3A_196 : memref<1x1x1x6x128x128xf32, #tpu.memory_space<hbm>> -> memref<6x128x128xf32, #tpu.memory_space<hbm>>
      %dma_wait3A_198 = arith.constant 0 : i32
      %dma_wait3A_199 = arith.constant 0 : i32
      %dma_wait3A_200 = arith.constant 0 : i32
      %dma_wait3A_201 = tpu.memref_slice %arg3[%select_n3A, %dma_wait3A_192, %select_n3A_41, %dma_wait3A_198, %dma_wait3A_199, %dma_wait3A_200] : memref<8x8x7x6x128x128xf32, #tpu.memory_space<hbm>> -> memref<1x1x1x6x128x128xf32, #tpu.memory_space<hbm>>
      %dma_wait3A_202 = tpu.memref_squeeze %dma_wait3A_201 : memref<1x1x1x6x128x128xf32, #tpu.memory_space<hbm>> -> memref<6x128x128xf32, #tpu.memory_space<hbm>>
      tpu.wait_dma2 semaphore(%arg6 : memref<!tpu.dma_semaphore, #tpu.memory_space<semaphore_mem>>) src(%arg4 : memref<6x128x128xf32, #tpu.memory_space<vmem>>) dst(%dma_wait3A_202 : memref<6x128x128xf32, #tpu.memory_space<hbm>>)
      %dma_wait3A_203 = arith.constant 5 : i32
      %dma_wait3A_204 = arith.constant 0 : i32
      %dma_wait3A_205 = arith.constant 0 : i32
      %dma_wait3A_206 = arith.constant 0 : i32
      %dma_wait3A_207 = tpu.memref_slice %arg3[%select_n3A, %dma_wait3A_203, %select_n3A_41, %dma_wait3A_204, %dma_wait3A_205, %dma_wait3A_206] : memref<8x8x7x6x128x128xf32, #tpu.memory_space<hbm>> -> memref<1x1x1x6x128x128xf32, #tpu.memory_space<hbm>>
      %dma_wait3A_208 = tpu.memref_squeeze %dma_wait3A_207 : memref<1x1x1x6x128x128xf32, #tpu.memory_space<hbm>> -> memref<6x128x128xf32, #tpu.memory_space<hbm>>
      %dma_wait3A_209 = arith.constant 0 : i32
      %dma_wait3A_210 = arith.constant 0 : i32
      %dma_wait3A_211 = arith.constant 0 : i32
      %dma_wait3A_212 = tpu.memref_slice %arg3[%select_n3A, %dma_wait3A_203, %select_n3A_41, %dma_wait3A_209, %dma_wait3A_210, %dma_wait3A_211] : memref<8x8x7x6x128x128xf32, #tpu.memory_space<hbm>> -> memref<1x1x1x6x128x128xf32, #tpu.memory_space<hbm>>
      %dma_wait3A_213 = tpu.memref_squeeze %dma_wait3A_212 : memref<1x1x1x6x128x128xf32, #tpu.memory_space<hbm>> -> memref<6x128x128xf32, #tpu.memory_space<hbm>>
      tpu.wait_dma2 semaphore(%arg6 : memref<!tpu.dma_semaphore, #tpu.memory_space<semaphore_mem>>) src(%arg4 : memref<6x128x128xf32, #tpu.memory_space<vmem>>) dst(%dma_wait3A_213 : memref<6x128x128xf32, #tpu.memory_space<hbm>>)
      %dma_wait3A_214 = arith.constant 6 : i32
      %dma_wait3A_215 = arith.constant 0 : i32
      %dma_wait3A_216 = arith.constant 0 : i32
      %dma_wait3A_217 = arith.constant 0 : i32
      %dma_wait3A_218 = tpu.memref_slice %arg3[%select_n3A, %dma_wait3A_214, %select_n3A_41, %dma_wait3A_215, %dma_wait3A_216, %dma_wait3A_217] : memref<8x8x7x6x128x128xf32, #tpu.memory_space<hbm>> -> memref<1x1x1x6x128x128xf32, #tpu.memory_space<hbm>>
      %dma_wait3A_219 = tpu.memref_squeeze %dma_wait3A_218 : memref<1x1x1x6x128x128xf32, #tpu.memory_space<hbm>> -> memref<6x128x128xf32, #tpu.memory_space<hbm>>
      %dma_wait3A_220 = arith.constant 0 : i32
      %dma_wait3A_221 = arith.constant 0 : i32
      %dma_wait3A_222 = arith.constant 0 : i32
      %dma_wait3A_223 = tpu.memref_slice %arg3[%select_n3A, %dma_wait3A_214, %select_n3A_41, %dma_wait3A_220, %dma_wait3A_221, %dma_wait3A_222] : memref<8x8x7x6x128x128xf32, #tpu.memory_space<hbm>> -> memref<1x1x1x6x128x128xf32, #tpu.memory_space<hbm>>
      %dma_wait3A_224 = tpu.memref_squeeze %dma_wait3A_223 : memref<1x1x1x6x128x128xf32, #tpu.memory_space<hbm>> -> memref<6x128x128xf32, #tpu.memory_space<hbm>>
      tpu.wait_dma2 semaphore(%arg6 : memref<!tpu.dma_semaphore, #tpu.memory_space<semaphore_mem>>) src(%arg4 : memref<6x128x128xf32, #tpu.memory_space<vmem>>) dst(%dma_wait3A_224 : memref<6x128x128xf32, #tpu.memory_space<hbm>>)
      %dma_wait3A_225 = arith.constant 7 : i32
      %dma_wait3A_226 = arith.constant 0 : i32
      %dma_wait3A_227 = arith.constant 0 : i32
      %dma_wait3A_228 = arith.constant 0 : i32
      %dma_wait3A_229 = tpu.memref_slice %arg3[%select_n3A, %dma_wait3A_225, %select_n3A_41, %dma_wait3A_226, %dma_wait3A_227, %dma_wait3A_228] : memref<8x8x7x6x128x128xf32, #tpu.memory_space<hbm>> -> memref<1x1x1x6x128x128xf32, #tpu.memory_space<hbm>>
      %dma_wait3A_230 = tpu.memref_squeeze %dma_wait3A_229 : memref<1x1x1x6x128x128xf32, #tpu.memory_space<hbm>> -> memref<6x128x128xf32, #tpu.memory_space<hbm>>
      %dma_wait3A_231 = arith.constant 0 : i32
      %dma_wait3A_232 = arith.constant 0 : i32
      %dma_wait3A_233 = arith.constant 0 : i32
      %dma_wait3A_234 = tpu.memref_slice %arg3[%select_n3A, %dma_wait3A_225, %select_n3A_41, %dma_wait3A_231, %dma_wait3A_232, %dma_wait3A_233] : memref<8x8x7x6x128x128xf32, #tpu.memory_space<hbm>> -> memref<1x1x1x6x128x128xf32, #tpu.memory_space<hbm>>
      %dma_wait3A_235 = tpu.memref_squeeze %dma_wait3A_234 : memref<1x1x1x6x128x128xf32, #tpu.memory_space<hbm>> -> memref<6x128x128xf32, #tpu.memory_space<hbm>>
      tpu.wait_dma2 semaphore(%arg6 : memref<!tpu.dma_semaphore, #tpu.memory_space<semaphore_mem>>) src(%arg4 : memref<6x128x128xf32, #tpu.memory_space<vmem>>) dst(%dma_wait3A_235 : memref<6x128x128xf32, #tpu.memory_space<hbm>>)
      %sub3A_236 = arith.constant 16 : i32
      %sub3A_237 = arith.subi %add3A, %sub3A_236 : i32
      %mul3A_238 = arith.constant 4 : i32
      %mul3A_239 = arith.muli %sub3A_237, %mul3A_238 : i32
      %add3A_240 = arith.constant 0 : i32
      %add3A_241 = arith.addi %mul3A_239, %add3A_240 : i32
      %jit3A_242 = arith.constant 8 : i32
      %div3A_243 = arith.divsi %add3A_241, %jit3A_242 : i32
      %sign3A_244 = arith.constant 0 : i32
      %sign3A_245 = arith.cmpi sgt, %add3A_241, %sign3A_244 : i32
      %sign3A_246 = arith.extui %sign3A_245 : i1 to i32
      %sign3A_247 = arith.constant 0 : i32
      %sign3A_248 = arith.cmpi slt, %add3A_241, %sign3A_247 : i32
      %sign3A_249 = arith.extui %sign3A_248 : i1 to i32
      %sign3A_250 = arith.subi %sign3A_246, %sign3A_249 : i32
      %sign3A_251 = arith.constant 0 : i32
      %sign3A_252 = arith.cmpi sgt, %jit3A_242, %sign3A_251 : i32
      %sign3A_253 = arith.extui %sign3A_252 : i1 to i32
      %sign3A_254 = arith.constant 0 : i32
      %sign3A_255 = arith.cmpi slt, %jit3A_242, %sign3A_254 : i32
      %sign3A_256 = arith.extui %sign3A_255 : i1 to i32
      %sign3A_257 = arith.subi %sign3A_253, %sign3A_256 : i32
      %ne3A_258 = arith.cmpi ne, %sign3A_250, %sign3A_257 : i32
      %rem3A_259 = arith.remsi %add3A_241, %jit3A_242 : i32
      %ne3A_260 = arith.constant 0 : i32
      %ne3A_261 = arith.cmpi ne, %rem3A_259, %ne3A_260 : i32
      %and3A_262 = arith.andi %ne3A_258, %ne3A_261 : i1
      %sub3A_263 = arith.constant 1 : i32
      %sub3A_264 = arith.subi %div3A_243, %sub3A_263 : i32
      %select_n3A_265 = arith.select %and3A_262, %sub3A_264, %div3A_243 : i32
      %jit3A_266 = arith.constant 8 : i32
      %eq3A_267 = arith.constant 0 : i32
      %eq3A_268 = arith.cmpi eq, %jit3A_266, %eq3A_267 : i32
      %jit3A_269 = arith.constant 1 : i32
      %select_n3A_270 = arith.select %eq3A_268, %jit3A_269, %jit3A_266 : i32
      %rem3A_271 = arith.remsi %add3A_241, %select_n3A_270 : i32
      %ne3A_272 = arith.constant 0 : i32
      %ne3A_273 = arith.cmpi ne, %rem3A_271, %ne3A_272 : i32
      %lt3A_274 = arith.constant 0 : i32
      %lt3A_275 = arith.cmpi slt, %rem3A_271, %lt3A_274 : i32
      %lt3A_276 = arith.constant 0 : i32
      %lt3A_277 = arith.cmpi slt, %select_n3A_270, %lt3A_276 : i32
      %ne3A_278 = arith.xori %lt3A_275, %lt3A_277 : i1
      %and3A_279 = arith.andi %ne3A_278, %ne3A_273 : i1
      %add3A_280 = arith.addi %rem3A_271, %select_n3A_270 : i32
      %select_n3A_281 = arith.select %and3A_279, %add3A_280, %rem3A_271 : i32
      %add3A_282 = arith.constant 6 : i32
      %add3A_283 = arith.addi %add3A_282, %select_n3A_281 : i32
      %dma_start3A_284 = arith.constant 0 : i32
      %dma_start3A_285 = arith.constant 0 : i32
      %dma_start3A_286 = arith.constant 0 : i32
      %dma_start3A_287 = tpu.memref_slice %arg2[%select_n3A_265, %add3A_283, %dma_start3A_284, %dma_start3A_285, %dma_start3A_286] : memref<8x14x6x128x128xf32, #tpu.memory_space<hbm>> -> memref<1x1x6x128x128xf32, #tpu.memory_space<hbm>>
      %dma_start3A_288 = tpu.memref_squeeze %dma_start3A_287 : memref<1x1x6x128x128xf32, #tpu.memory_space<hbm>> -> memref<6x128x128xf32, #tpu.memory_space<hbm>>
      %dma_start3A_289 = arith.constant 0 : i32
      %dma_start3A_290 = arith.constant 0 : i32
      %dma_start3A_291 = arith.constant 0 : i32
      %dma_start3A_292 = tpu.memref_slice %arg2[%select_n3A_265, %add3A_283, %dma_start3A_289, %dma_start3A_290, %dma_start3A_291] : memref<8x14x6x128x128xf32, #tpu.memory_space<hbm>> -> memref<1x1x6x128x128xf32, #tpu.memory_space<hbm>>
      %dma_start3A_293 = tpu.memref_squeeze %dma_start3A_292 : memref<1x1x6x128x128xf32, #tpu.memory_space<hbm>> -> memref<6x128x128xf32, #tpu.memory_space<hbm>>
      tpu.enqueue_dma source(%dma_start3A_293 : memref<6x128x128xf32, #tpu.memory_space<hbm>>) target(%arg4 : memref<6x128x128xf32, #tpu.memory_space<vmem>>) target_semaphore(%arg5 : memref<!tpu.dma_semaphore, #tpu.memory_space<semaphore_mem>>)
      %dma_wait3A_294 = arith.constant 0 : i32
      %dma_wait3A_295 = arith.constant 0 : i32
      %dma_wait3A_296 = arith.constant 0 : i32
      %dma_wait3A_297 = tpu.memref_slice %arg2[%select_n3A_265, %add3A_283, %dma_wait3A_294, %dma_wait3A_295, %dma_wait3A_296] : memref<8x14x6x128x128xf32, #tpu.memory_space<hbm>> -> memref<1x1x6x128x128xf32, #tpu.memory_space<hbm>>
      %dma_wait3A_298 = tpu.memref_squeeze %dma_wait3A_297 : memref<1x1x6x128x128xf32, #tpu.memory_space<hbm>> -> memref<6x128x128xf32, #tpu.memory_space<hbm>>
      %dma_wait3A_299 = arith.constant 0 : i32
      %dma_wait3A_300 = arith.constant 0 : i32
      %dma_wait3A_301 = arith.constant 0 : i32
      %dma_wait3A_302 = tpu.memref_slice %arg2[%select_n3A_265, %add3A_283, %dma_wait3A_299, %dma_wait3A_300, %dma_wait3A_301] : memref<8x14x6x128x128xf32, #tpu.memory_space<hbm>> -> memref<1x1x6x128x128xf32, #tpu.memory_space<hbm>>
      %dma_wait3A_303 = tpu.memref_squeeze %dma_wait3A_302 : memref<1x1x6x128x128xf32, #tpu.memory_space<hbm>> -> memref<6x128x128xf32, #tpu.memory_space<hbm>>
      tpu.wait_dma2 semaphore(%arg5 : memref<!tpu.dma_semaphore, #tpu.memory_space<semaphore_mem>>) src(%dma_wait3A_303 : memref<6x128x128xf32, #tpu.memory_space<hbm>>) dst(%arg4 : memref<6x128x128xf32, #tpu.memory_space<vmem>>)
      %dma_start3A_304 = arith.constant 6 : i32
      %dma_start3A_305 = arith.constant 0 : i32
      %dma_start3A_306 = arith.constant 0 : i32
      %dma_start3A_307 = arith.constant 0 : i32
      %dma_start3A_308 = tpu.memref_slice %arg3[%select_n3A_265, %select_n3A_281, %dma_start3A_304, %dma_start3A_305, %dma_start3A_306, %dma_start3A_307] : memref<8x8x7x6x128x128xf32, #tpu.memory_space<hbm>> -> memref<1x1x1x6x128x128xf32, #tpu.memory_space<hbm>>
      %dma_start3A_309 = tpu.memref_squeeze %dma_start3A_308 : memref<1x1x1x6x128x128xf32, #tpu.memory_space<hbm>> -> memref<6x128x128xf32, #tpu.memory_space<hbm>>
      %dma_start3A_310 = arith.constant 0 : i32
      %dma_start3A_311 = arith.constant 0 : i32
      %dma_start3A_312 = arith.constant 0 : i32
      %dma_start3A_313 = tpu.memref_slice %arg3[%select_n3A_265, %select_n3A_281, %dma_start3A_304, %dma_start3A_310, %dma_start3A_311, %dma_start3A_312] : memref<8x8x7x6x128x128xf32, #tpu.memory_space<hbm>> -> memref<1x1x1x6x128x128xf32, #tpu.memory_space<hbm>>
      %dma_start3A_314 = tpu.memref_squeeze %dma_start3A_313 : memref<1x1x1x6x128x128xf32, #tpu.memory_space<hbm>> -> memref<6x128x128xf32, #tpu.memory_space<hbm>>
      tpu.enqueue_dma source(%arg4 : memref<6x128x128xf32, #tpu.memory_space<vmem>>) target(%dma_start3A_314 : memref<6x128x128xf32, #tpu.memory_space<hbm>>) target_semaphore(%arg6 : memref<!tpu.dma_semaphore, #tpu.memory_space<semaphore_mem>>)
      %dma_wait3A_315 = arith.constant 6 : i32
      %dma_wait3A_316 = arith.constant 0 : i32
      %dma_wait3A_317 = arith.constant 0 : i32
      %dma_wait3A_318 = arith.constant 0 : i32
      %dma_wait3A_319 = tpu.memref_slice %arg3[%select_n3A_265, %select_n3A_281, %dma_wait3A_315, %dma_wait3A_316, %dma_wait3A_317, %dma_wait3A_318] : memref<8x8x7x6x128x128xf32, #tpu.memory_space<hbm>> -> memref<1x1x1x6x128x128xf32, #tpu.memory_space<hbm>>
      %dma_wait3A_320 = tpu.memref_squeeze %dma_wait3A_319 : memref<1x1x1x6x128x128xf32, #tpu.memory_space<hbm>> -> memref<6x128x128xf32, #tpu.memory_space<hbm>>
      %dma_wait3A_321 = arith.constant 0 : i32
      %dma_wait3A_322 = arith.constant 0 : i32
      %dma_wait3A_323 = arith.constant 0 : i32
      %dma_wait3A_324 = tpu.memref_slice %arg3[%select_n3A_265, %select_n3A_281, %dma_wait3A_315, %dma_wait3A_321, %dma_wait3A_322, %dma_wait3A_323] : memref<8x8x7x6x128x128xf32, #tpu.memory_space<hbm>> -> memref<1x1x1x6x128x128xf32, #tpu.memory_space<hbm>>
      %dma_wait3A_325 = tpu.memref_squeeze %dma_wait3A_324 : memref<1x1x1x6x128x128xf32, #tpu.memory_space<hbm>> -> memref<6x128x128xf32, #tpu.memory_space<hbm>>
      tpu.wait_dma2 semaphore(%arg6 : memref<!tpu.dma_semaphore, #tpu.memory_space<semaphore_mem>>) src(%arg4 : memref<6x128x128xf32, #tpu.memory_space<vmem>>) dst(%dma_wait3A_325 : memref<6x128x128xf32, #tpu.memory_space<hbm>>)
      %sub3A_326 = arith.constant 16 : i32
      %sub3A_327 = arith.subi %add3A, %sub3A_326 : i32
      %mul3A_328 = arith.constant 4 : i32
      %mul3A_329 = arith.muli %sub3A_327, %mul3A_328 : i32
      %add3A_330 = arith.constant 1 : i32
      %add3A_331 = arith.addi %mul3A_329, %add3A_330 : i32
      %jit3A_332 = arith.constant 8 : i32
      %div3A_333 = arith.divsi %add3A_331, %jit3A_332 : i32
      %sign3A_334 = arith.constant 0 : i32
      %sign3A_335 = arith.cmpi sgt, %add3A_331, %sign3A_334 : i32
      %sign3A_336 = arith.extui %sign3A_335 : i1 to i32
      %sign3A_337 = arith.constant 0 : i32
      %sign3A_338 = arith.cmpi slt, %add3A_331, %sign3A_337 : i32
      %sign3A_339 = arith.extui %sign3A_338 : i1 to i32
      %sign3A_340 = arith.subi %sign3A_336, %sign3A_339 : i32
      %sign3A_341 = arith.constant 0 : i32
      %sign3A_342 = arith.cmpi sgt, %jit3A_332, %sign3A_341 : i32
      %sign3A_343 = arith.extui %sign3A_342 : i1 to i32
      %sign3A_344 = arith.constant 0 : i32
      %sign3A_345 = arith.cmpi slt, %jit3A_332, %sign3A_344 : i32
      %sign3A_346 = arith.extui %sign3A_345 : i1 to i32
      %sign3A_347 = arith.subi %sign3A_343, %sign3A_346 : i32
      %ne3A_348 = arith.cmpi ne, %sign3A_340, %sign3A_347 : i32
      %rem3A_349 = arith.remsi %add3A_331, %jit3A_332 : i32
      %ne3A_350 = arith.constant 0 : i32
      %ne3A_351 = arith.cmpi ne, %rem3A_349, %ne3A_350 : i32
      %and3A_352 = arith.andi %ne3A_348, %ne3A_351 : i1
      %sub3A_353 = arith.constant 1 : i32
      %sub3A_354 = arith.subi %div3A_333, %sub3A_353 : i32
      %select_n3A_355 = arith.select %and3A_352, %sub3A_354, %div3A_333 : i32
      %jit3A_356 = arith.constant 8 : i32
      %eq3A_357 = arith.constant 0 : i32
      %eq3A_358 = arith.cmpi eq, %jit3A_356, %eq3A_357 : i32
      %jit3A_359 = arith.constant 1 : i32
      %select_n3A_360 = arith.select %eq3A_358, %jit3A_359, %jit3A_356 : i32
      %rem3A_361 = arith.remsi %add3A_331, %select_n3A_360 : i32
      %ne3A_362 = arith.constant 0 : i32
      %ne3A_363 = arith.cmpi ne, %rem3A_361, %ne3A_362 : i32
      %lt3A_364 = arith.constant 0 : i32
      %lt3A_365 = arith.cmpi slt, %rem3A_361, %lt3A_364 : i32
      %lt3A_366 = arith.constant 0 : i32
      %lt3A_367 = arith.cmpi slt, %select_n3A_360, %lt3A_366 : i32
      %ne3A_368 = arith.xori %lt3A_365, %lt3A_367 : i1
      %and3A_369 = arith.andi %ne3A_368, %ne3A_363 : i1
      %add3A_370 = arith.addi %rem3A_361, %select_n3A_360 : i32
      %select_n3A_371 = arith.select %and3A_369, %add3A_370, %rem3A_361 : i32
      %add3A_372 = arith.constant 6 : i32
      %add3A_373 = arith.addi %add3A_372, %select_n3A_371 : i32
      %dma_start3A_374 = arith.constant 0 : i32
      %dma_start3A_375 = arith.constant 0 : i32
      %dma_start3A_376 = arith.constant 0 : i32
      %dma_start3A_377 = tpu.memref_slice %arg2[%select_n3A_355, %add3A_373, %dma_start3A_374, %dma_start3A_375, %dma_start3A_376] : memref<8x14x6x128x128xf32, #tpu.memory_space<hbm>> -> memref<1x1x6x128x128xf32, #tpu.memory_space<hbm>>
      %dma_start3A_378 = tpu.memref_squeeze %dma_start3A_377 : memref<1x1x6x128x128xf32, #tpu.memory_space<hbm>> -> memref<6x128x128xf32, #tpu.memory_space<hbm>>
      %dma_start3A_379 = arith.constant 0 : i32
      %dma_start3A_380 = arith.constant 0 : i32
      %dma_start3A_381 = arith.constant 0 : i32
      %dma_start3A_382 = tpu.memref_slice %arg2[%select_n3A_355, %add3A_373, %dma_start3A_379, %dma_start3A_380, %dma_start3A_381] : memref<8x14x6x128x128xf32, #tpu.memory_space<hbm>> -> memref<1x1x6x128x128xf32, #tpu.memory_space<hbm>>
      %dma_start3A_383 = tpu.memref_squeeze %dma_start3A_382 : memref<1x1x6x128x128xf32, #tpu.memory_space<hbm>> -> memref<6x128x128xf32, #tpu.memory_space<hbm>>
      tpu.enqueue_dma source(%dma_start3A_383 : memref<6x128x128xf32, #tpu.memory_space<hbm>>) target(%arg4 : memref<6x128x128xf32, #tpu.memory_space<vmem>>) target_semaphore(%arg5 : memref<!tpu.dma_semaphore, #tpu.memory_space<semaphore_mem>>)
      %dma_wait3A_384 = arith.constant 0 : i32
      %dma_wait3A_385 = arith.constant 0 : i32
      %dma_wait3A_386 = arith.constant 0 : i32
      %dma_wait3A_387 = tpu.memref_slice %arg2[%select_n3A_355, %add3A_373, %dma_wait3A_384, %dma_wait3A_385, %dma_wait3A_386] : memref<8x14x6x128x128xf32, #tpu.memory_space<hbm>> -> memref<1x1x6x128x128xf32, #tpu.memory_space<hbm>>
      %dma_wait3A_388 = tpu.memref_squeeze %dma_wait3A_387 : memref<1x1x6x128x128xf32, #tpu.memory_space<hbm>> -> memref<6x128x128xf32, #tpu.memory_space<hbm>>
      %dma_wait3A_389 = arith.constant 0 : i32
      %dma_wait3A_390 = arith.constant 0 : i32
      %dma_wait3A_391 = arith.constant 0 : i32
      %dma_wait3A_392 = tpu.memref_slice %arg2[%select_n3A_355, %add3A_373, %dma_wait3A_389, %dma_wait3A_390, %dma_wait3A_391] : memref<8x14x6x128x128xf32, #tpu.memory_space<hbm>> -> memref<1x1x6x128x128xf32, #tpu.memory_space<hbm>>
      %dma_wait3A_393 = tpu.memref_squeeze %dma_wait3A_392 : memref<1x1x6x128x128xf32, #tpu.memory_space<hbm>> -> memref<6x128x128xf32, #tpu.memory_space<hbm>>
      tpu.wait_dma2 semaphore(%arg5 : memref<!tpu.dma_semaphore, #tpu.memory_space<semaphore_mem>>) src(%dma_wait3A_393 : memref<6x128x128xf32, #tpu.memory_space<hbm>>) dst(%arg4 : memref<6x128x128xf32, #tpu.memory_space<vmem>>)
      %dma_start3A_394 = arith.constant 6 : i32
      %dma_start3A_395 = arith.constant 0 : i32
      %dma_start3A_396 = arith.constant 0 : i32
      %dma_start3A_397 = arith.constant 0 : i32
      %dma_start3A_398 = tpu.memref_slice %arg3[%select_n3A_355, %select_n3A_371, %dma_start3A_394, %dma_start3A_395, %dma_start3A_396, %dma_start3A_397] : memref<8x8x7x6x128x128xf32, #tpu.memory_space<hbm>> -> memref<1x1x1x6x128x128xf32, #tpu.memory_space<hbm>>
      %dma_start3A_399 = tpu.memref_squeeze %dma_start3A_398 : memref<1x1x1x6x128x128xf32, #tpu.memory_space<hbm>> -> memref<6x128x128xf32, #tpu.memory_space<hbm>>
      %dma_start3A_400 = arith.constant 0 : i32
      %dma_start3A_401 = arith.constant 0 : i32
      %dma_start3A_402 = arith.constant 0 : i32
      %dma_start3A_403 = tpu.memref_slice %arg3[%select_n3A_355, %select_n3A_371, %dma_start3A_394, %dma_start3A_400, %dma_start3A_401, %dma_start3A_402] : memref<8x8x7x6x128x128xf32, #tpu.memory_space<hbm>> -> memref<1x1x1x6x128x128xf32, #tpu.memory_space<hbm>>
      %dma_start3A_404 = tpu.memref_squeeze %dma_start3A_403 : memref<1x1x1x6x128x128xf32, #tpu.memory_space<hbm>> -> memref<6x128x128xf32, #tpu.memory_space<hbm>>
      tpu.enqueue_dma source(%arg4 : memref<6x128x128xf32, #tpu.memory_space<vmem>>) target(%dma_start3A_404 : memref<6x128x128xf32, #tpu.memory_space<hbm>>) target_semaphore(%arg6 : memref<!tpu.dma_semaphore, #tpu.memory_space<semaphore_mem>>)
      %dma_wait3A_405 = arith.constant 6 : i32
      %dma_wait3A_406 = arith.constant 0 : i32
      %dma_wait3A_407 = arith.constant 0 : i32
      %dma_wait3A_408 = arith.constant 0 : i32
      %dma_wait3A_409 = tpu.memref_slice %arg3[%select_n3A_355, %select_n3A_371, %dma_wait3A_405, %dma_wait3A_406, %dma_wait3A_407, %dma_wait3A_408] : memref<8x8x7x6x128x128xf32, #tpu.memory_space<hbm>> -> memref<1x1x1x6x128x128xf32, #tpu.memory_space<hbm>>
      %dma_wait3A_410 = tpu.memref_squeeze %dma_wait3A_409 : memref<1x1x1x6x128x128xf32, #tpu.memory_space<hbm>> -> memref<6x128x128xf32, #tpu.memory_space<hbm>>
      %dma_wait3A_411 = arith.constant 0 : i32
      %dma_wait3A_412 = arith.constant 0 : i32
      %dma_wait3A_413 = arith.constant 0 : i32
      %dma_wait3A_414 = tpu.memref_slice %arg3[%select_n3A_355, %select_n3A_371, %dma_wait3A_405, %dma_wait3A_411, %dma_wait3A_412, %dma_wait3A_413] : memref<8x8x7x6x128x128xf32, #tpu.memory_space<hbm>> -> memref<1x1x1x6x128x128xf32, #tpu.memory_space<hbm>>
      %dma_wait3A_415 = tpu.memref_squeeze %dma_wait3A_414 : memref<1x1x1x6x128x128xf32, #tpu.memory_space<hbm>> -> memref<6x128x128xf32, #tpu.memory_space<hbm>>
      tpu.wait_dma2 semaphore(%arg6 : memref<!tpu.dma_semaphore, #tpu.memory_space<semaphore_mem>>) src(%arg4 : memref<6x128x128xf32, #tpu.memory_space<vmem>>) dst(%dma_wait3A_415 : memref<6x128x128xf32, #tpu.memory_space<hbm>>)
      %sub3A_416 = arith.constant 16 : i32
      %sub3A_417 = arith.subi %add3A, %sub3A_416 : i32
      %mul3A_418 = arith.constant 4 : i32
      %mul3A_419 = arith.muli %sub3A_417, %mul3A_418 : i32
      %add3A_420 = arith.constant 2 : i32
      %add3A_421 = arith.addi %mul3A_419, %add3A_420 : i32
      %jit3A_422 = arith.constant 8 : i32
      %div3A_423 = arith.divsi %add3A_421, %jit3A_422 : i32
      %sign3A_424 = arith.constant 0 : i32
      %sign3A_425 = arith.cmpi sgt, %add3A_421, %sign3A_424 : i32
      %sign3A_426 = arith.extui %sign3A_425 : i1 to i32
      %sign3A_427 = arith.constant 0 : i32
      %sign3A_428 = arith.cmpi slt, %add3A_421, %sign3A_427 : i32
      %sign3A_429 = arith.extui %sign3A_428 : i1 to i32
      %sign3A_430 = arith.subi %sign3A_426, %sign3A_429 : i32
      %sign3A_431 = arith.constant 0 : i32
      %sign3A_432 = arith.cmpi sgt, %jit3A_422, %sign3A_431 : i32
      %sign3A_433 = arith.extui %sign3A_432 : i1 to i32
      %sign3A_434 = arith.constant 0 : i32
      %sign3A_435 = arith.cmpi slt, %jit3A_422, %sign3A_434 : i32
      %sign3A_436 = arith.extui %sign3A_435 : i1 to i32
      %sign3A_437 = arith.subi %sign3A_433, %sign3A_436 : i32
      %ne3A_438 = arith.cmpi ne, %sign3A_430, %sign3A_437 : i32
      %rem3A_439 = arith.remsi %add3A_421, %jit3A_422 : i32
      %ne3A_440 = arith.constant 0 : i32
      %ne3A_441 = arith.cmpi ne, %rem3A_439, %ne3A_440 : i32
      %and3A_442 = arith.andi %ne3A_438, %ne3A_441 : i1
      %sub3A_443 = arith.constant 1 : i32
      %sub3A_444 = arith.subi %div3A_423, %sub3A_443 : i32
      %select_n3A_445 = arith.select %and3A_442, %sub3A_444, %div3A_423 : i32
      %jit3A_446 = arith.constant 8 : i32
      %eq3A_447 = arith.constant 0 : i32
      %eq3A_448 = arith.cmpi eq, %jit3A_446, %eq3A_447 : i32
      %jit3A_449 = arith.constant 1 : i32
      %select_n3A_450 = arith.select %eq3A_448, %jit3A_449, %jit3A_446 : i32
      %rem3A_451 = arith.remsi %add3A_421, %select_n3A_450 : i32
      %ne3A_452 = arith.constant 0 : i32
      %ne3A_453 = arith.cmpi ne, %rem3A_451, %ne3A_452 : i32
      %lt3A_454 = arith.constant 0 : i32
      %lt3A_455 = arith.cmpi slt, %rem3A_451, %lt3A_454 : i32
      %lt3A_456 = arith.constant 0 : i32
      %lt3A_457 = arith.cmpi slt, %select_n3A_450, %lt3A_456 : i32
      %ne3A_458 = arith.xori %lt3A_455, %lt3A_457 : i1
      %and3A_459 = arith.andi %ne3A_458, %ne3A_453 : i1
      %add3A_460 = arith.addi %rem3A_451, %select_n3A_450 : i32
      %select_n3A_461 = arith.select %and3A_459, %add3A_460, %rem3A_451 : i32
      %add3A_462 = arith.constant 6 : i32
      %add3A_463 = arith.addi %add3A_462, %select_n3A_461 : i32
      %dma_start3A_464 = arith.constant 0 : i32
      %dma_start3A_465 = arith.constant 0 : i32
      %dma_start3A_466 = arith.constant 0 : i32
      %dma_start3A_467 = tpu.memref_slice %arg2[%select_n3A_445, %add3A_463, %dma_start3A_464, %dma_start3A_465, %dma_start3A_466] : memref<8x14x6x128x128xf32, #tpu.memory_space<hbm>> -> memref<1x1x6x128x128xf32, #tpu.memory_space<hbm>>
      %dma_start3A_468 = tpu.memref_squeeze %dma_start3A_467 : memref<1x1x6x128x128xf32, #tpu.memory_space<hbm>> -> memref<6x128x128xf32, #tpu.memory_space<hbm>>
      %dma_start3A_469 = arith.constant 0 : i32
      %dma_start3A_470 = arith.constant 0 : i32
      %dma_start3A_471 = arith.constant 0 : i32
      %dma_start3A_472 = tpu.memref_slice %arg2[%select_n3A_445, %add3A_463, %dma_start3A_469, %dma_start3A_470, %dma_start3A_471] : memref<8x14x6x128x128xf32, #tpu.memory_space<hbm>> -> memref<1x1x6x128x128xf32, #tpu.memory_space<hbm>>
      %dma_start3A_473 = tpu.memref_squeeze %dma_start3A_472 : memref<1x1x6x128x128xf32, #tpu.memory_space<hbm>> -> memref<6x128x128xf32, #tpu.memory_space<hbm>>
      tpu.enqueue_dma source(%dma_start3A_473 : memref<6x128x128xf32, #tpu.memory_space<hbm>>) target(%arg4 : memref<6x128x128xf32, #tpu.memory_space<vmem>>) target_semaphore(%arg5 : memref<!tpu.dma_semaphore, #tpu.memory_space<semaphore_mem>>)
      %dma_wait3A_474 = arith.constant 0 : i32
      %dma_wait3A_475 = arith.constant 0 : i32
      %dma_wait3A_476 = arith.constant 0 : i32
      %dma_wait3A_477 = tpu.memref_slice %arg2[%select_n3A_445, %add3A_463, %dma_wait3A_474, %dma_wait3A_475, %dma_wait3A_476] : memref<8x14x6x128x128xf32, #tpu.memory_space<hbm>> -> memref<1x1x6x128x128xf32, #tpu.memory_space<hbm>>
      %dma_wait3A_478 = tpu.memref_squeeze %dma_wait3A_477 : memref<1x1x6x128x128xf32, #tpu.memory_space<hbm>> -> memref<6x128x128xf32, #tpu.memory_space<hbm>>
      %dma_wait3A_479 = arith.constant 0 : i32
      %dma_wait3A_480 = arith.constant 0 : i32
      %dma_wait3A_481 = arith.constant 0 : i32
      %dma_wait3A_482 = tpu.memref_slice %arg2[%select_n3A_445, %add3A_463, %dma_wait3A_479, %dma_wait3A_480, %dma_wait3A_481] : memref<8x14x6x128x128xf32, #tpu.memory_space<hbm>> -> memref<1x1x6x128x128xf32, #tpu.memory_space<hbm>>
      %dma_wait3A_483 = tpu.memref_squeeze %dma_wait3A_482 : memref<1x1x6x128x128xf32, #tpu.memory_space<hbm>> -> memref<6x128x128xf32, #tpu.memory_space<hbm>>
      tpu.wait_dma2 semaphore(%arg5 : memref<!tpu.dma_semaphore, #tpu.memory_space<semaphore_mem>>) src(%dma_wait3A_483 : memref<6x128x128xf32, #tpu.memory_space<hbm>>) dst(%arg4 : memref<6x128x128xf32, #tpu.memory_space<vmem>>)
      %dma_start3A_484 = arith.constant 6 : i32
      %dma_start3A_485 = arith.constant 0 : i32
      %dma_start3A_486 = arith.constant 0 : i32
      %dma_start3A_487 = arith.constant 0 : i32
      %dma_start3A_488 = tpu.memref_slice %arg3[%select_n3A_445, %select_n3A_461, %dma_start3A_484, %dma_start3A_485, %dma_start3A_486, %dma_start3A_487] : memref<8x8x7x6x128x128xf32, #tpu.memory_space<hbm>> -> memref<1x1x1x6x128x128xf32, #tpu.memory_space<hbm>>
      %dma_start3A_489 = tpu.memref_squeeze %dma_start3A_488 : memref<1x1x1x6x128x128xf32, #tpu.memory_space<hbm>> -> memref<6x128x128xf32, #tpu.memory_space<hbm>>
      %dma_start3A_490 = arith.constant 0 : i32
      %dma_start3A_491 = arith.constant 0 : i32
      %dma_start3A_492 = arith.constant 0 : i32
      %dma_start3A_493 = tpu.memref_slice %arg3[%select_n3A_445, %select_n3A_461, %dma_start3A_484, %dma_start3A_490, %dma_start3A_491, %dma_start3A_492] : memref<8x8x7x6x128x128xf32, #tpu.memory_space<hbm>> -> memref<1x1x1x6x128x128xf32, #tpu.memory_space<hbm>>
      %dma_start3A_494 = tpu.memref_squeeze %dma_start3A_493 : memref<1x1x1x6x128x128xf32, #tpu.memory_space<hbm>> -> memref<6x128x128xf32, #tpu.memory_space<hbm>>
      tpu.enqueue_dma source(%arg4 : memref<6x128x128xf32, #tpu.memory_space<vmem>>) target(%dma_start3A_494 : memref<6x128x128xf32, #tpu.memory_space<hbm>>) target_semaphore(%arg6 : memref<!tpu.dma_semaphore, #tpu.memory_space<semaphore_mem>>)
      %dma_wait3A_495 = arith.constant 6 : i32
      %dma_wait3A_496 = arith.constant 0 : i32
      %dma_wait3A_497 = arith.constant 0 : i32
      %dma_wait3A_498 = arith.constant 0 : i32
      %dma_wait3A_499 = tpu.memref_slice %arg3[%select_n3A_445, %select_n3A_461, %dma_wait3A_495, %dma_wait3A_496, %dma_wait3A_497, %dma_wait3A_498] : memref<8x8x7x6x128x128xf32, #tpu.memory_space<hbm>> -> memref<1x1x1x6x128x128xf32, #tpu.memory_space<hbm>>
      %dma_wait3A_500 = tpu.memref_squeeze %dma_wait3A_499 : memref<1x1x1x6x128x128xf32, #tpu.memory_space<hbm>> -> memref<6x128x128xf32, #tpu.memory_space<hbm>>
      %dma_wait3A_501 = arith.constant 0 : i32
      %dma_wait3A_502 = arith.constant 0 : i32
      %dma_wait3A_503 = arith.constant 0 : i32
      %dma_wait3A_504 = tpu.memref_slice %arg3[%select_n3A_445, %select_n3A_461, %dma_wait3A_495, %dma_wait3A_501, %dma_wait3A_502, %dma_wait3A_503] : memref<8x8x7x6x128x128xf32, #tpu.memory_space<hbm>> -> memref<1x1x1x6x128x128xf32, #tpu.memory_space<hbm>>
      %dma_wait3A_505 = tpu.memref_squeeze %dma_wait3A_504 : memref<1x1x1x6x128x128xf32, #tpu.memory_space<hbm>> -> memref<6x128x128xf32, #tpu.memory_space<hbm>>
      tpu.wait_dma2 semaphore(%arg6 : memref<!tpu.dma_semaphore, #tpu.memory_space<semaphore_mem>>) src(%arg4 : memref<6x128x128xf32, #tpu.memory_space<vmem>>) dst(%dma_wait3A_505 : memref<6x128x128xf32, #tpu.memory_space<hbm>>)
      %sub3A_506 = arith.constant 16 : i32
      %sub3A_507 = arith.subi %add3A, %sub3A_506 : i32
      %mul3A_508 = arith.constant 4 : i32
      %mul3A_509 = arith.muli %sub3A_507, %mul3A_508 : i32
      %add3A_510 = arith.constant 3 : i32
      %add3A_511 = arith.addi %mul3A_509, %add3A_510 : i32
      %jit3A_512 = arith.constant 8 : i32
      %div3A_513 = arith.divsi %add3A_511, %jit3A_512 : i32
      %sign3A_514 = arith.constant 0 : i32
      %sign3A_515 = arith.cmpi sgt, %add3A_511, %sign3A_514 : i32
      %sign3A_516 = arith.extui %sign3A_515 : i1 to i32
      %sign3A_517 = arith.constant 0 : i32
      %sign3A_518 = arith.cmpi slt, %add3A_511, %sign3A_517 : i32
      %sign3A_519 = arith.extui %sign3A_518 : i1 to i32
      %sign3A_520 = arith.subi %sign3A_516, %sign3A_519 : i32
      %sign3A_521 = arith.constant 0 : i32
      %sign3A_522 = arith.cmpi sgt, %jit3A_512, %sign3A_521 : i32
      %sign3A_523 = arith.extui %sign3A_522 : i1 to i32
      %sign3A_524 = arith.constant 0 : i32
      %sign3A_525 = arith.cmpi slt, %jit3A_512, %sign3A_524 : i32
      %sign3A_526 = arith.extui %sign3A_525 : i1 to i32
      %sign3A_527 = arith.subi %sign3A_523, %sign3A_526 : i32
      %ne3A_528 = arith.cmpi ne, %sign3A_520, %sign3A_527 : i32
      %rem3A_529 = arith.remsi %add3A_511, %jit3A_512 : i32
      %ne3A_530 = arith.constant 0 : i32
      %ne3A_531 = arith.cmpi ne, %rem3A_529, %ne3A_530 : i32
      %and3A_532 = arith.andi %ne3A_528, %ne3A_531 : i1
      %sub3A_533 = arith.constant 1 : i32
      %sub3A_534 = arith.subi %div3A_513, %sub3A_533 : i32
      %select_n3A_535 = arith.select %and3A_532, %sub3A_534, %div3A_513 : i32
      %jit3A_536 = arith.constant 8 : i32
      %eq3A_537 = arith.constant 0 : i32
      %eq3A_538 = arith.cmpi eq, %jit3A_536, %eq3A_537 : i32
      %jit3A_539 = arith.constant 1 : i32
      %select_n3A_540 = arith.select %eq3A_538, %jit3A_539, %jit3A_536 : i32
      %rem3A_541 = arith.remsi %add3A_511, %select_n3A_540 : i32
      %ne3A_542 = arith.constant 0 : i32
      %ne3A_543 = arith.cmpi ne, %rem3A_541, %ne3A_542 : i32
      %lt3A_544 = arith.constant 0 : i32
      %lt3A_545 = arith.cmpi slt, %rem3A_541, %lt3A_544 : i32
      %lt3A_546 = arith.constant 0 : i32
      %lt3A_547 = arith.cmpi slt, %select_n3A_540, %lt3A_546 : i32
      %ne3A_548 = arith.xori %lt3A_545, %lt3A_547 : i1
      %and3A_549 = arith.andi %ne3A_548, %ne3A_543 : i1
      %add3A_550 = arith.addi %rem3A_541, %select_n3A_540 : i32
      %select_n3A_551 = arith.select %and3A_549, %add3A_550, %rem3A_541 : i32
      %add3A_552 = arith.constant 6 : i32
      %add3A_553 = arith.addi %add3A_552, %select_n3A_551 : i32
      %dma_start3A_554 = arith.constant 0 : i32
      %dma_start3A_555 = arith.constant 0 : i32
      %dma_start3A_556 = arith.constant 0 : i32
      %dma_start3A_557 = tpu.memref_slice %arg2[%select_n3A_535, %add3A_553, %dma_start3A_554, %dma_start3A_555, %dma_start3A_556] : memref<8x14x6x128x128xf32, #tpu.memory_space<hbm>> -> memref<1x1x6x128x128xf32, #tpu.memory_space<hbm>>
      %dma_start3A_558 = tpu.memref_squeeze %dma_start3A_557 : memref<1x1x6x128x128xf32, #tpu.memory_space<hbm>> -> memref<6x128x128xf32, #tpu.memory_space<hbm>>
      %dma_start3A_559 = arith.constant 0 : i32
      %dma_start3A_560 = arith.constant 0 : i32
      %dma_start3A_561 = arith.constant 0 : i32
      %dma_start3A_562 = tpu.memref_slice %arg2[%select_n3A_535, %add3A_553, %dma_start3A_559, %dma_start3A_560, %dma_start3A_561] : memref<8x14x6x128x128xf32, #tpu.memory_space<hbm>> -> memref<1x1x6x128x128xf32, #tpu.memory_space<hbm>>
      %dma_start3A_563 = tpu.memref_squeeze %dma_start3A_562 : memref<1x1x6x128x128xf32, #tpu.memory_space<hbm>> -> memref<6x128x128xf32, #tpu.memory_space<hbm>>
      tpu.enqueue_dma source(%dma_start3A_563 : memref<6x128x128xf32, #tpu.memory_space<hbm>>) target(%arg4 : memref<6x128x128xf32, #tpu.memory_space<vmem>>) target_semaphore(%arg5 : memref<!tpu.dma_semaphore, #tpu.memory_space<semaphore_mem>>)
      %dma_wait3A_564 = arith.constant 0 : i32
      %dma_wait3A_565 = arith.constant 0 : i32
      %dma_wait3A_566 = arith.constant 0 : i32
      %dma_wait3A_567 = tpu.memref_slice %arg2[%select_n3A_535, %add3A_553, %dma_wait3A_564, %dma_wait3A_565, %dma_wait3A_566] : memref<8x14x6x128x128xf32, #tpu.memory_space<hbm>> -> memref<1x1x6x128x128xf32, #tpu.memory_space<hbm>>
      %dma_wait3A_568 = tpu.memref_squeeze %dma_wait3A_567 : memref<1x1x6x128x128xf32, #tpu.memory_space<hbm>> -> memref<6x128x128xf32, #tpu.memory_space<hbm>>
      %dma_wait3A_569 = arith.constant 0 : i32
      %dma_wait3A_570 = arith.constant 0 : i32
      %dma_wait3A_571 = arith.constant 0 : i32
      %dma_wait3A_572 = tpu.memref_slice %arg2[%select_n3A_535, %add3A_553, %dma_wait3A_569, %dma_wait3A_570, %dma_wait3A_571] : memref<8x14x6x128x128xf32, #tpu.memory_space<hbm>> -> memref<1x1x6x128x128xf32, #tpu.memory_space<hbm>>
      %dma_wait3A_573 = tpu.memref_squeeze %dma_wait3A_572 : memref<1x1x6x128x128xf32, #tpu.memory_space<hbm>> -> memref<6x128x128xf32, #tpu.memory_space<hbm>>
      tpu.wait_dma2 semaphore(%arg5 : memref<!tpu.dma_semaphore, #tpu.memory_space<semaphore_mem>>) src(%dma_wait3A_573 : memref<6x128x128xf32, #tpu.memory_space<hbm>>) dst(%arg4 : memref<6x128x128xf32, #tpu.memory_space<vmem>>)
      %dma_start3A_574 = arith.constant 6 : i32
      %dma_start3A_575 = arith.constant 0 : i32
      %dma_start3A_576 = arith.constant 0 : i32
      %dma_start3A_577 = arith.constant 0 : i32
      %dma_start3A_578 = tpu.memref_slice %arg3[%select_n3A_535, %select_n3A_551, %dma_start3A_574, %dma_start3A_575, %dma_start3A_576, %dma_start3A_577] : memref<8x8x7x6x128x128xf32, #tpu.memory_space<hbm>> -> memref<1x1x1x6x128x128xf32, #tpu.memory_space<hbm>>
      %dma_start3A_579 = tpu.memref_squeeze %dma_start3A_578 : memref<1x1x1x6x128x128xf32, #tpu.memory_space<hbm>> -> memref<6x128x128xf32, #tpu.memory_space<hbm>>
      %dma_start3A_580 = arith.constant 0 : i32
      %dma_start3A_581 = arith.constant 0 : i32
      %dma_start3A_582 = arith.constant 0 : i32
      %dma_start3A_583 = tpu.memref_slice %arg3[%select_n3A_535, %select_n3A_551, %dma_start3A_574, %dma_start3A_580, %dma_start3A_581, %dma_start3A_582] : memref<8x8x7x6x128x128xf32, #tpu.memory_space<hbm>> -> memref<1x1x1x6x128x128xf32, #tpu.memory_space<hbm>>
      %dma_start3A_584 = tpu.memref_squeeze %dma_start3A_583 : memref<1x1x1x6x128x128xf32, #tpu.memory_space<hbm>> -> memref<6x128x128xf32, #tpu.memory_space<hbm>>
      tpu.enqueue_dma source(%arg4 : memref<6x128x128xf32, #tpu.memory_space<vmem>>) target(%dma_start3A_584 : memref<6x128x128xf32, #tpu.memory_space<hbm>>) target_semaphore(%arg6 : memref<!tpu.dma_semaphore, #tpu.memory_space<semaphore_mem>>)
      %dma_wait3A_585 = arith.constant 6 : i32
      %dma_wait3A_586 = arith.constant 0 : i32
      %dma_wait3A_587 = arith.constant 0 : i32
      %dma_wait3A_588 = arith.constant 0 : i32
      %dma_wait3A_589 = tpu.memref_slice %arg3[%select_n3A_535, %select_n3A_551, %dma_wait3A_585, %dma_wait3A_586, %dma_wait3A_587, %dma_wait3A_588] : memref<8x8x7x6x128x128xf32, #tpu.memory_space<hbm>> -> memref<1x1x1x6x128x128xf32, #tpu.memory_space<hbm>>
      %dma_wait3A_590 = tpu.memref_squeeze %dma_wait3A_589 : memref<1x1x1x6x128x128xf32, #tpu.memory_space<hbm>> -> memref<6x128x128xf32, #tpu.memory_space<hbm>>
      %dma_wait3A_591 = arith.constant 0 : i32
      %dma_wait3A_592 = arith.constant 0 : i32
      %dma_wait3A_593 = arith.constant 0 : i32
      %dma_wait3A_594 = tpu.memref_slice %arg3[%select_n3A_535, %select_n3A_551, %dma_wait3A_585, %dma_wait3A_591, %dma_wait3A_592, %dma_wait3A_593] : memref<8x8x7x6x128x128xf32, #tpu.memory_space<hbm>> -> memref<1x1x1x6x128x128xf32, #tpu.memory_space<hbm>>
      %dma_wait3A_595 = tpu.memref_squeeze %dma_wait3A_594 : memref<1x1x1x6x128x128xf32, #tpu.memory_space<hbm>> -> memref<6x128x128xf32, #tpu.memory_space<hbm>>
      tpu.wait_dma2 semaphore(%arg6 : memref<!tpu.dma_semaphore, #tpu.memory_space<semaphore_mem>>) src(%arg4 : memref<6x128x128xf32, #tpu.memory_space<vmem>>) dst(%dma_wait3A_595 : memref<6x128x128xf32, #tpu.memory_space<hbm>>)
    } else {
    }
    return
  }
}

</mosaic_0001>

<sc_bundles>
// kernel: kernel.3.cloned.1.call-start
scs
__scs_entry_jumppad:
0x0: {  	(pc) =	sbr.rel $0x88, $3  }
0x1: {  	(tag) =	ssettag $0x0;
	lr =	simm.s32 $0x1  }
0x2: {  	[smem:$0x3FA0] =	sst lr;
	_ =	strace $0xD0000000  }
0x3: {  	_ = 	snop  }
0x4: {  	_ = 	snop  }
0x5: {  	_ = 	snop  }
0x6: {  	_ = 	snop  }
0x7: {  	_ = 	snop  }
__scs_overlays_trampoline_lowered:
0x8: {  	[smem:$0x3FAF] =	sst s0  }
0x9: {  	[smem:$0x3FB0] =	sst s1  }
0xa: {  	[smem:$0x3FB1] =	sst s2  }
0xb: {  	[smem:$0x3FB2] =	sst s3  }
0xc: {  	[smem:$0x3FB3] =	sst s4  }
0xd: {  	[smem:$0x3FB4] =	sst s5  }
0xe: {  	[smem:$0x3FB5] =	sst s6  }
0xf: {  	[smem:$0x3FB6] =	sst s7  }
0x10: {  	[smem:$0x3FB7] =	sst s8  }
0x11: {  	[smem:$0x3FB8] =	sst s9;
	s0 =	simm.s32 @!p0 $0x0  }
0x12: {  	s1 =	sld [smem:$0x3F9E];
	s0 =	simm.s32 @p0 $0x1  }
0x13: {  	[smem:$0x3FB9] =	sst s0;
	s0 =	simm.s32 @!p1 $0x0  }
0x14: {  	s2 =	sld [smem:$0x3F9D];
	s0 =	simm.s32 @p1 $0x1  }
0x15: {  	[smem:$0x3FBA] =	sst s0;
	s0 =	simm.s32 @!p2 $0x0  }
0x16: {  	s3 =	sld [smem:$0x3FDB];
	s0 =	simm.s32 @p2 $0x1  }
0x17: {  	s4 =	simm.s32 $0x1BF5;
	[smem:$0x3FBC] =	sst s0  }
0x18: {  	s0 =	sld [smem:$0x3F9F];
	_ =	swait.ge [sflag:s4], $0x0  }
0x19: {  	s7 =	sld [smem:$0x3FA0]  }
0x1a: {  	s8 =	sadd.s32 $0xFFFFE003, lr  }
0x1b: {  	s9 =	sadd.s32 $0xFFFFFEF7, lr;
	s5 =	simm.s32 $0xFFFFFFFF;
	p2 =	slt.u32 s8, $0xFFFFF086  }
0x1c: {  	p1 =	slt.u32 s9, $0xF7A;
	s5 =	simm.s32 @!p2 $0x0  }
0x1d: {  	s5 =	simm.s32 @p1 $0x1;
	p0 =	seq.s32 s7, s2  }
0x1e: {  	s7 =	smul.u32 @!p0 $0xF7A, s2;
	p2 =	seq.s32 @!p0 s5, $0x0  }
0x1f: {  	s9 =	smul.u32 $0xF7A, s1;
	s8 =	simm.s32 @!p0 $0x1BF5;
	p2 =	por !p2, p0  }
0x20: {  	[sflag:s8] =	ssyncset.s32 @!p0 $0xFFFFF086;
	s6 =	sadd.s32 @!p0 s3, s7;
	s7 =	simm.s32 @!p0 $0x108  }
0x21: {  	s3 =	sadd.s32 s3, s9;
	s6 =	sadd.s32 @!p0 $0x88, s6;
	s7 =	simm.s32 @p2 $0x1082  }
0x22: {  	[simem:s7], [sflag:s8] =	dma.local @!p0 [hbm:s6], $0xF7A  }
0x23: {  	s9 =	sor.u32 $0xD0000000, s2;
	s6 =	simm.s32 $0x108;
	_ =	swait.ge @!p0 [sflag:s8], $0x0  }
0x24: {  	s3 =	sadd.s32 $0x88, s3;
	s6 =	simm.s32 @!p1 $0x1082;
	[sflag:s4] =	ssyncset.s32 $0xFFFFF086  }
0x25: {  	[simem:s6], [sflag:s4] =	dma.local [hbm:s3], $0xF7A  }
0x26: {  	[smem:$0x3FA0] =	sst s1;
	(tag) =	ssettag s2;
	_ =	strace s9  }
0x27: {  	s1 =	sld [smem:$0x3FB0]  }
0x28: {  	s2 =	sld [smem:$0x3FB1]  }
0x29: {  	s4 =	sld [smem:$0x3FB3]  }
0x2a: {  	p0 =	seq.s32 s5, $0x0;
	s5 =	sld [smem:$0x3FB4]  }
0x2b: {  	s6 =	sld [smem:$0x3FB5]  }
0x2c: {  	s7 =	sld [smem:$0x3FB6]  }
0x2d: {  	s3 =	simm.s32 $0x108;
	s8 =	sld [smem:$0x3FB7]  }
0x2e: {  	s3 =	simm.s32 @!p0 $0x1082;
	s9 =	sld [smem:$0x3FB8]  }
0x2f: {  	lr =	sadd.s32 s0, s3;
	s0 =	sld [smem:$0x3FAF]  }
0x30: {  	s3 =	sld [smem:$0x3FB2]  }
0x31: {  	[smem:$0x3FBB] =	sst s10  }
0x32: {  	s10 =	sld [smem:$0x3FB9];
	_ =	sdelay $0x3  }
0x33: {  	p0 =	seq.s32 s10, $0x1;
	s10 =	sld [smem:$0x3FBB];
	_ =	sdelay $0x3  }
0x34: {  	[smem:$0x3FBB] =	sst s10  }
0x35: {  	s10 =	sld [smem:$0x3FBA];
	_ =	sdelay $0x3  }
0x36: {  	p1 =	seq.s32 s10, $0x1;
	s10 =	sld [smem:$0x3FBB];
	_ =	sdelay $0x3  }
0x37: {  	[smem:$0x3FBB] =	sst s10  }
0x38: {  	s10 =	sld [smem:$0x3FBC]  }
0x39: {  	_ = 	snop;
	(pc) =	sbr.ind lr, $3  }
0x3a: {  	_ = 	snop  }
0x3b: {  	_ = 	snop  }
0x3c: {  	p2 =	seq.s32 s10, $0x1;
	s10 =	sld [smem:$0x3FBB]  }
0x3d: {  	_ =	shalt  }
0x3e: {  	_ =	shalt  }
0x3f: {  	_ =	shalt  }
0x40: {  	_ =	shalt  }
0x41: {  	_ =	shalt  }
0x42: {  	_ =	shalt  }
0x43: {  	_ =	shalt  }
0x44: {  	_ =	shalt  }
0x45: {  	_ =	shalt  }
0x46: {  	_ =	shalt  }
0x47: {  	_ =	shalt  }
0x48: {  	_ =	shalt  }
0x49: {  	_ =	shalt  }
0x4a: {  	_ =	shalt  }
0x4b: {  	_ =	shalt  }
0x4c: {  	_ =	shalt  }
0x4d: {  	_ =	shalt  }
0x4e: {  	_ =	shalt  }
0x4f: {  	_ =	shalt  }
0x50: {  	_ =	shalt  }
0x51: {  	_ =	shalt  }
0x52: {  	_ =	shalt  }
0x53: {  	_ =	shalt  }
0x54: {  	_ =	shalt  }
0x55: {  	_ =	shalt  }
0x56: {  	_ =	shalt  }
0x57: {  	_ =	shalt  }
0x58: {  	_ =	shalt  }
0x59: {  	_ =	shalt  }
0x5a: {  	_ =	shalt  }
0x5b: {  	_ =	shalt  }
0x5c: {  	_ =	shalt  }
0x5d: {  	_ =	shalt  }
0x5e: {  	_ =	shalt  }
0x5f: {  	_ =	shalt  }
0x60: {  	_ =	shalt  }
0x61: {  	_ =	shalt  }
0x62: {  	_ =	shalt  }
0x63: {  	_ =	shalt  }
0x64: {  	_ =	shalt  }
0x65: {  	_ =	shalt  }
0x66: {  	_ =	shalt  }
0x67: {  	_ =	shalt  }
0x68: {  	_ =	shalt  }
0x69: {  	_ =	shalt  }
0x6a: {  	_ =	shalt  }
0x6b: {  	_ =	shalt  }
0x6c: {  	_ =	shalt  }
0x6d: {  	_ =	shalt  }
0x6e: {  	_ =	shalt  }
0x6f: {  	_ =	shalt  }
0x70: {  	_ =	shalt  }
0x71: {  	_ =	shalt  }
0x72: {  	_ =	shalt  }
0x73: {  	_ =	shalt  }
0x74: {  	_ =	shalt  }
0x75: {  	_ =	shalt  }
0x76: {  	_ =	shalt  }
0x77: {  	_ =	shalt  }
0x78: {  	_ =	shalt  }
0x79: {  	_ =	shalt  }
0x7a: {  	_ =	shalt  }
0x7b: {  	_ =	shalt  }
0x7c: {  	_ =	shalt  }
0x7d: {  	_ =	shalt  }
0x7e: {  	_ =	shalt  }
0x7f: {  	_ =	shalt  }
0x80: {  	_ =	shalt  }
0x81: {  	_ =	shalt  }
0x82: {  	_ =	shalt  }
0x83: {  	_ =	shalt  }
0x84: {  	_ =	shalt  }
0x85: {  	_ =	shalt  }
0x86: {  	_ =	shalt  }
0x87: {  	_ =	shalt  }
.Lfunc_end0:
.L_simem_size_0:
called_computation_lowered:
.L_overlay_start_0:
0x88: {  	s2 =	sld [smem:$0x3FD9]  }
0x89: {  	s3 =	sld [smem:$0x3FFE];
	_ =	sdelay $0x1  }
0x8a: {  	s1 =	srdreg.scid  }
0x8b: {  	s0 =	sand.u32 $0x1, s1  }
0x8c: {  	s18 =	sshll.u32 s0, $0xA;
	s2 =	sadd.s32 s3, s2  }
0x8d: {  	s2 =	sadd.s32 s2, s18  }
0x8e: {  	[smem:$0x3FC7] =	sst s2  }
0x8f: {  	_ = 	snop  }
0x90: {  	s2 =	sld [smem:$0x3FC9]  }
0x91: {  	s19 =	sld [smem:$0x3FD0];
	(tm) =	ssettm $0x1  }
0x92: {  	s4 =	sld [smem:$0x3FFB];
	_ =	sdelay $0x3  }
0x93: {  	_ =	strace s4  }
0x94: {  	s4 =	sld [smem:$0x3FFC];
	_ =	sdelay $0x3  }
0x95: {  	_ =	strace s4  }
0x96: {  	s4 =	sld [smem:$0x3FFD];
	_ =	sdelay $0x3  }
0x97: {  	_ =	strace s4  }
0x98: {  	_ =	strace $0x8FFFFFFF  }
0x99: {  	s20 =	sld [smem:$0x3FDB];
	_ =	sdelay $0x1  }
0x9a: {  	s5 =	simm.s32 $_scs_section_size  }
0x9b: {  	s6 =	simm.s32 $_size__tile_overlayer_lowered;
	s7 =	simm.s32 $_tile_overlayer_lowered  }
0x9c: {  	s23 =	simm.s32 $0x1BFF;
	s22 =	sshll.u32 s7, $0x1;
	s4 =	sadd.s32 s5, s20  }
0x9d: {  	s8 =	simm.s32 $0x0;
	s21 =	sshll.u32 s6, $0x1;
	s6 =	sadd.s32 s22, s4  }
0x9e: {  	[timem:s8], [sflag:s23] =	dma.local [hbm:s6], s21  }
0x9f: {  	_ =	swait.ge [sflag:s23], s21  }
0xa0: {  	s5 =	ssub.s32 $0x0, s21;
	[sflag:s23] =	ssyncset.done $0x0  }
0xa1: {  	[sflag:s23] =	ssyncadd.s32 s5;
	_ =	sdelay $0x1  }
0xa2: {  	s24 =	simm.s32 $0x1B8B  }
0xa3: {  	_ =	swait.ge [sflag:s24], $0x1  }
0xa4: {  	[sflag:s24] =	ssyncset.done $0x0  }
0xa5: {  	s25 =	simm.s32 $0x1B8E;
	[sflag:s24] =	ssyncadd.s32 $0xFFFFFFFF  }
0xa6: {  	s26 =	simm.s32 $execute0_lowered;
	[smem:$0x3FD2] =	sst s25  }
0xa7: {  	s5 =	sshll.u32 s26, $0x1;
	_ =	strace $0x80000046;
	[dreg:$0x1] =	wrdreg $0xFFFFFFFF  }
0xa8: {  	s28 =	simm.s32 $_size_execute0_lowered;
	s4 =	sadd.s32 s4, s5;
	[dreg:$0x0] =	wrdreg $0x0  }
0xa9: {  	s5 =	sshll.u32 s28, $0x1;
	[dreg:$0x2] =	wrdreg s4  }
0xaa: {  	[dreg:$0x3] =	wrdreg s5  }
0xab: {  	[dreg:$0x4] =	wrdreg $0xC0  }
0xac: {  	_ =	task [dreg:s8], $0x5FFFF  }
0xad: {  	[dreg:$0x1] =	wrdreg $0xFFFFFFFF  }
0xae: {  	[dreg:$0x0] =	wrdreg $0x60  }
0xaf: {  	[dreg:$0x2] =	wrdreg s2  }
0xb0: {  	[dreg:$0x3] =	wrdreg s19  }
0xb1: {  	[dreg:$0x4] =	wrdreg $0x9  }
0xb2: {  	_ =	task.clear_ibuf [dreg:s8], $0x5FFFF;
	_ =	strace $0x90000046  }
0xb3: {  	s29 =	simm.s32 $0x9;
	_ =	strace $0x80000048  }
0xb4: {  	_ =	swait.ge [sflag:s29], $0x1  }
0xb5: {  	[sflag:s29] =	ssyncadd.s32 $0xFFFFFFFF  }
0xb6: {  	_ =	strace $0x90000048  }
0xb7: {  	_ =	sfence  }
0xb8: {  	s30 =	sld [smem:$0x0];
	_ =	sdelay $0x2  }
0xb9: {  	s31 =	sshll.u32 s1, $0xD;
	s1 =	sshrl.u32 s1, $0x2  }
0xba: {  	s3 =	sand.u32 $0x4000, s31;
	s1 =	sadd.s32 s1, s30  }
0xbb: {  	s0 =	sor.u32 s3, s0;
	s1 =	sshll.u32 s1, $0x11  }
0xbc: {  	s0 =	sor.u32 s1, s0  }
0xbd: {  	s0 =	sadd.s32 $0x8F2B, s0  }
0xbe: {  	[sflag:s0] =	ssyncadd.remote.s32 $0x1  }
0xbf: {  	_ =	sfence.sel $0xFFFF  }
0xc0: {  	[dreg:$0x0] =	wrdreg $0xFFFFFFFF;
	(pc) =	sbr.abs _section_cstart, $3  }
0xc1: {  	[dreg:$0x1] =	wrdreg $0xFFFFFFFF  }
0xc2: {  	_ =	task.clear_ibuf [dreg:s8], $0x2FFFF;
	_ =	strace $0x9FFFFFFF  }
0xc3: {  	(tm) =	ssettm $0x7FFFFFFF  }
tec
execute0_lowered:
.L_overlay_start_1:
0x0: {  	(tag) =	ssettag $0x1  }
0x1: {  	s0 =	srdreg.scid;
	s26 =	stileid.u32  }
0x2: {  	s3 =	sand.u32 $0x1, s0;
	s21 =	sshll.u32 s26, $0x1  }
0x3: {  	s5 =	sor.u32 s3, s21  }
0x4: {  	s2 =	sadd.s32 $0x10, s5;
	s7 =	sshll.u32 s5, $0x2  }
0x5: {  	s22 =	smul.u32 $0x2B, s2;
	s11 =	sand.u32 $0x4, s7  }
0x6: {  	s9 =	sadd.s32 $0xFFFFFFC0, s7;
	s12 =	smul.u32 $0x18000, s11  }
0x7: {  	s25 =	sadd.s32 $0xFFFFFFC1, s7;
	s24 =	sshrl.u32 s9, $0x3;
	s11 =	smul.u32 $0xA8000, s11  }
0x8: {  	s15 =	sshrl.u32 s25, $0x3;
	s17 =	sand.u32 $0x5, s25;
	s25 =	smul.u32 $0x56, s5  }
0x9: {  	s9 =	smul.u32 $0x150000, s24  }
0xa: {  	s13 =	smul.u32 $0x540000, s24  }
0xb: {  	s16 =	smul.u32 $0x150000, s15  }
0xc: {  	s19 =	sadd.s32 $0xFFFFFFC2, s7;
	s15 =	smul.u32 $0x540000, s15  }
0xd: {  	s21 =	sshrl.u32 s19, $0x3;
	s20 =	smul.u32 $0xA8000, s17  }
0xe: {  	s4 =	sshrl.u32 s22, $0x8;
	s18 =	smul.u32 $0x150000, s21  }
0xf: {  	s6 =	smul.u32 $0x6, s4  }
0x10: {  	s3 =	ssub.s32 $0x2, s3;
	s23 =	smul.u32 $0x150000, s4  }
0x11: {  	s1 =	rddreg [dreg:$0x0];
	s14 =	sshrl.u32 s3, $0x1;
	s10 =	smul.u32 $0x540000, s4  }
0x12: {  	s0 =	rddreg [dreg:$0x1];
	s4 =	ssub.s32 s3, s14;
	s14 =	smul.u32 $0x18000, s17  }
0x13: {  	p0 =	sgt.u32 s26, $0x7;
	s7 =	sadd.s32 $0xFFFFFFC3, s7;
	s17 =	smul.u32 $0x540000, s21  }
0x14: {  	s9 =	sadd.s32 s12, s9;
	s11 =	sadd.s32 s13, s11;
	s12 =	sshrl.u32 s7, $0x3  }
0x15: {  	s7 =	sand.u32 $0x7, s7;
	s13 =	sshrl.u32 s25, $0x8;
	s2 =	ssub.s32 s2, s6  }
0x16: {  	s14 =	sadd.s32 s16, s14;
	s21 =	smul.u32 $0x6, s13;
	s2 =	sand.u32 $0xFF, s2  }
0x17: {  	s9 =	sadd.s32 $0x90000, s9;
	s8 =	smul.u32 $0x18000, s2;
	s2 =	simm.s32 $0x0  }
0x18: {  	s11 =	sshrl.u32 s11, $0x3;
	s9 =	sshrl.u32 s9, $0x3;
	[smem:$0x7FF] =	sst s2  }
0x19: {  	s9 =	sadd.s32 s1, s9;
	_ =	strace $0x80000047;
	s6 =	sadd.s32 s8, s23  }
0x1a: {  	s10 =	sadd.s32 s8, s10;
	s8 =	sadd.s32 s15, s20;
	s20 =	smul.u32 $0x18000, s7  }
0x1b: {  	[dreg:$0x9] =	wrdreg s9;
	s6 =	sshrl.u32 s6, $0x3;
	s3 =	sshrl.u32 s10, $0x3  }
0x1c: {  	s7 =	smul.u32 $0xA8000, s7;
	s3 =	sadd.s32 s0, s3;
	s6 =	sadd.s32 s1, s6  }
0x1d: {  	s10 =	sand.u32 $0x6, s19;
	[dreg:$0x3] =	wrdreg s6;
	s22 =	sadd.s32 $0x15000, s3  }
0x1e: {  	s23 =	smul.u32 $0x18000, s10;
	s19 =	sadd.s32 $0x2A000, s3;
	[dreg:$0x4] =	wrdreg s22  }
0x1f: {  	s10 =	smul.u32 $0xA8000, s10;
	s24 =	sadd.s32 $0x3F000, s3;
	[dreg:$0x5] =	wrdreg s19  }
0x20: {  	s25 =	sadd.s32 $0x69000, s3;
	[dreg:$0x6] =	wrdreg s24;
	s19 =	smul.u32 $0x150000, s12  }
0x21: {  	s6 =	sadd.s32 s18, s23;
	s22 =	sshllo.u32 s5, $0x1;
	s10 =	sadd.s32 s17, s10  }
0x22: {  	s24 =	sadd.s32 $0x54000, s3;
	s5 =	sshll.u32 s5, $0x1;
	s12 =	smul.u32 $0x540000, s12  }
0x23: {  	[dreg:$0x8] =	wrdreg s25;
	s18 =	sshrl.u32 s14, $0x3;
	s23 =	smul.u32 $0x2B, s22  }
0x24: {  	[dreg:$0x7] =	wrdreg s24;
	s5 =	ssub.s32 s5, s21;
	s21 =	smul.u32 $0x150000, s13  }
0x25: {  	s6 =	sshrl.u32 s6, $0x3;
	s24 =	smul.u32 $0x540000, s13;
	s5 =	sand.u32 $0xFE, s5  }
0x26: {  	s9 =	sadd.s32 s1, s18;
	s16 =	sshrl.u32 s23, $0x8;
	s5 =	smul.u32 $0x18000, s5  }
0x27: {  	s13 =	sadd.s32 $0x7E000, s3;
	s15 =	sadd.s32 s19, s20;
	s16 =	smul.u32 $0x6, s16  }
0x28: {  	s6 =	sadd.s32 s1, s6;
	s7 =	sadd.s32 s12, s7;
	s15 =	sshrl.u32 s15, $0x3  }
0x29: {  	s18 =	sadd.s32 $0x12000, s6;
	s20 =	ssub.s32 s22, s16;
	s22 =	sadd.s32 s21, s5  }
0x2a: {  	s5 =	sadd.s32 s24, s5;
	s16 =	sadd.s32 $0x12000, s9;
	s14 =	sand.u32 $0xFF, s20  }
0x2b: {  	s20 =	sadd.s32 s1, s15;
	s12 =	sshrl.u32 s22, $0x3;
	s22 =	sshrl.u32 s10, $0x3  }
0x2c: {  	s5 =	sshrl.u32 s5, $0x3;
	s14 =	smul.u32 $0x18000, s14;
	s12 =	sadd.s32 s1, s12  }
0x2d: {  	s10 =	simm.s32 $0x1;
	s20 =	sadd.s32 $0x12000, s20;
	[dreg:$0xa] =	wrdreg s12  }
0x2e: {  	s23 =	sadd.s32 s21, s14;
	s12 =	sadd.s32 s24, s14;
	s14 =	sadd.s32 $0x93000, s3  }
0x2f: {  	s21 =	sshrl.u32 s8, $0x3;
	s24 =	sshrl.u32 s7, $0x3;
	s25 =	sshrl.u32 s23, $0x3  }
0x30: {  	s23 =	sadd.s32 s0, s22;
	s22 =	sadd.s32 s0, s5;
	s1 =	sadd.s32 s1, s25  }
0x31: {  	s19 =	sadd.s32 $0x12000, s23;
	s25 =	sshrl.u32 s12, $0x3;
	s26 =	sadd.s32 $0x2A000, s22  }
0x32: {  	s28 =	sadd.s32 $0x3F000, s22;
	s29 =	sadd.s32 $0x54000, s22;
	s30 =	sadd.s32 $0x69000, s22  }
0x33: {  	s31 =	sadd.s32 $0x7E000, s22;
	[dreg:$0xb] =	wrdreg s1;
	s1 =	sadd.s32 s0, s11  }
0x34: {  	s23 =	sadd.s32 s0, s25;
	s25 =	smax.u32 s4, $0x1;
	s11 =	simm.s32 $0x2  }
.Ltmp0:
0x35: {  	s15 =	sadd.s32 $0x12000, s1;
	s1 =	sadd.s32 s0, s21;
	(pc) =	sbr.rel .LBB2_1-.Ltmp0, $4  }
0x36: {  	s4 =	sadd.s32 $0x2A000, s23;
	s5 =	sadd.s32 $0x3F000, s23;
	s6 =	sadd.s32 $0x54000, s23  }
0x37: {  	s7 =	sadd.s32 $0x69000, s23;
	s8 =	sadd.s32 $0x7E000, s23;
	s9 =	sadd.s32 $0x93000, s23  }
0x38: {  	s17 =	sadd.s32 $0x12000, s1;
	s1 =	sadd.s32 s0, s24;
	s24 =	sadd.s32 $0x15000, s22  }
0x39: {  	s0 =	sadd.s32 $0x15000, s23;
	s21 =	sadd.s32 $0x12000, s1;
	s1 =	sadd.s32 $0x93000, s22  }
.LBB2_3:
0x3a: {  	s12 =	rddreg [dreg:$0x3]  }
0x3b: {  	[tilespmem:s2], [sflag:$0x1] =	stream.linear.gather [hbm4b:s12+s2], $0x18000, $0x38;
	[tilespmem:$0x18000] =	vst v63  }
0x3c: {  	_ =	swait.ge [sflag:s10], $0x18000  }
0x3d: {  	[sflag:s10] =	ssyncset.done $0x0  }
0x3e: {  	[sflag:s10] =	ssyncadd.s32 $0xFFFE8000  }
0x3f: {  	[hbm4b:s3+s2] =	stream.linear.scatter [tilespmem:s2], [sflag:$0x2], $0x18000, $0x38;
	[tilespmem:$0x18000] =	vst v63  }
0x40: {  	s12 =	rddreg [dreg:$0x4]  }
0x41: {  	[hbm4b:s12+s2] =	stream.linear.scatter [tilespmem:s2], [sflag:$0x2], $0x18000, $0x38;
	[tilespmem:$0x18000] =	vst v63  }
0x42: {  	s12 =	rddreg [dreg:$0x5]  }
0x43: {  	[hbm4b:s12+s2] =	stream.linear.scatter [tilespmem:s2], [sflag:$0x2], $0x18000, $0x38;
	[tilespmem:$0x18000] =	vst v63  }
0x44: {  	s12 =	rddreg [dreg:$0x6]  }
0x45: {  	[hbm4b:s12+s2] =	stream.linear.scatter [tilespmem:s2], [sflag:$0x2], $0x18000, $0x38;
	[tilespmem:$0x18000] =	vst v63  }
0x46: {  	s12 =	rddreg [dreg:$0x7]  }
0x47: {  	[hbm4b:s12+s2] =	stream.linear.scatter [tilespmem:s2], [sflag:$0x2], $0x18000, $0x38;
	[tilespmem:$0x18000] =	vst v63  }
0x48: {  	s12 =	rddreg [dreg:$0x8]  }
0x49: {  	[hbm4b:s12+s2] =	stream.linear.scatter [tilespmem:s2], [sflag:$0x2], $0x18000, $0x38;
	[tilespmem:$0x18000] =	vst v63  }
0x4a: {  	_ = 	snop  }
0x4b: {  	[hbm4b:s13+s2] =	stream.linear.scatter [tilespmem:s2], [sflag:$0x2], $0x18000, $0x38;
	[tilespmem:$0x18000] =	vst v63  }
0x4c: {  	_ = 	snop  }
0x4d: {  	[hbm4b:s14+s2] =	stream.linear.scatter [tilespmem:s2], [sflag:$0x2], $0x18000, $0x38;
	[tilespmem:$0x18000] =	vst v63  }
0x4e: {  	_ =	swait.ge [sflag:s11], $0x18000  }
0x4f: {  	[sflag:s11] =	ssyncset.done $0x0  }
0x50: {  	[sflag:s11] =	ssyncadd.s32 $0xFFFE8000  }
0x51: {  	_ =	swait.ge [sflag:s11], $0x18000  }
0x52: {  	[sflag:s11] =	ssyncset.done $0x0  }
0x53: {  	[sflag:s11] =	ssyncadd.s32 $0xFFFE8000  }
0x54: {  	_ =	swait.ge [sflag:s11], $0x18000  }
0x55: {  	[sflag:s11] =	ssyncset.done $0x0  }
0x56: {  	[sflag:s11] =	ssyncadd.s32 $0xFFFE8000  }
0x57: {  	_ =	swait.ge [sflag:s11], $0x18000  }
0x58: {  	[sflag:s11] =	ssyncset.done $0x0  }
0x59: {  	[sflag:s11] =	ssyncadd.s32 $0xFFFE8000  }
0x5a: {  	_ =	swait.ge [sflag:s11], $0x18000  }
0x5b: {  	[sflag:s11] =	ssyncset.done $0x0  }
0x5c: {  	[sflag:s11] =	ssyncadd.s32 $0xFFFE8000  }
0x5d: {  	_ =	swait.ge [sflag:s11], $0x18000  }
0x5e: {  	[sflag:s11] =	ssyncset.done $0x0  }
0x5f: {  	[sflag:s11] =	ssyncadd.s32 $0xFFFE8000  }
0x60: {  	_ =	swait.ge [sflag:s11], $0x18000  }
0x61: {  	[sflag:s11] =	ssyncset.done $0x0  }
0x62: {  	[sflag:s11] =	ssyncadd.s32 $0xFFFE8000  }
0x63: {  	_ =	swait.ge [sflag:s11], $0x18000  }
0x64: {  	[sflag:s11] =	ssyncset.done $0x0  }
0x65: {  	s12 =	rddreg [dreg:$0x9];
	[sflag:s11] =	ssyncadd.s32 $0xFFFE8000  }
0x66: {  	[tilespmem:s2], [sflag:$0x1] =	stream.linear.gather [hbm4b:s12+s2], $0x18000, $0x38;
	[tilespmem:$0x18000] =	vst v63  }
0x67: {  	_ =	swait.ge [sflag:s10], $0x18000  }
0x68: {  	[sflag:s10] =	ssyncset.done $0x0  }
0x69: {  	[sflag:s10] =	ssyncadd.s32 $0xFFFE8000  }
0x6a: {  	[hbm4b:s15+s2] =	stream.linear.scatter [tilespmem:s2], [sflag:$0x2], $0x18000, $0x38;
	[tilespmem:$0x18000] =	vst v63  }
0x6b: {  	_ =	swait.ge [sflag:s11], $0x18000  }
0x6c: {  	[sflag:s11] =	ssyncset.done $0x0  }
0x6d: {  	[sflag:s11] =	ssyncadd.s32 $0xFFFE8000  }
0x6e: {  	[tilespmem:s2], [sflag:$0x1] =	stream.linear.gather [hbm4b:s16+s2], $0x18000, $0x38;
	[tilespmem:$0x18000] =	vst v63  }
0x6f: {  	_ =	swait.ge [sflag:s10], $0x18000  }
0x70: {  	[sflag:s10] =	ssyncset.done $0x0  }
0x71: {  	[sflag:s10] =	ssyncadd.s32 $0xFFFE8000  }
0x72: {  	[hbm4b:s17+s2] =	stream.linear.scatter [tilespmem:s2], [sflag:$0x2], $0x18000, $0x38;
	[tilespmem:$0x18000] =	vst v63  }
0x73: {  	_ =	swait.ge [sflag:s11], $0x18000  }
0x74: {  	[sflag:s11] =	ssyncset.done $0x0  }
0x75: {  	[sflag:s11] =	ssyncadd.s32 $0xFFFE8000  }
0x76: {  	[tilespmem:s2], [sflag:$0x1] =	stream.linear.gather [hbm4b:s18+s2], $0x18000, $0x38;
	[tilespmem:$0x18000] =	vst v63  }
0x77: {  	_ =	swait.ge [sflag:s10], $0x18000  }
0x78: {  	[sflag:s10] =	ssyncset.done $0x0  }
0x79: {  	[sflag:s10] =	ssyncadd.s32 $0xFFFE8000  }
0x7a: {  	[hbm4b:s19+s2] =	stream.linear.scatter [tilespmem:s2], [sflag:$0x2], $0x18000, $0x38;
	[tilespmem:$0x18000] =	vst v63  }
0x7b: {  	_ =	swait.ge [sflag:s11], $0x18000  }
0x7c: {  	[sflag:s11] =	ssyncset.done $0x0  }
0x7d: {  	[sflag:s11] =	ssyncadd.s32 $0xFFFE8000  }
0x7e: {  	[tilespmem:s2], [sflag:$0x1] =	stream.linear.gather [hbm4b:s20+s2], $0x18000, $0x38;
	[tilespmem:$0x18000] =	vst v63  }
0x7f: {  	_ =	swait.ge [sflag:s10], $0x18000  }
0x80: {  	[sflag:s10] =	ssyncset.done $0x0  }
0x81: {  	[sflag:s10] =	ssyncadd.s32 $0xFFFE8000  }
0x82: {  	[hbm4b:s21+s2] =	stream.linear.scatter [tilespmem:s2], [sflag:$0x2], $0x18000, $0x38;
	[tilespmem:$0x18000] =	vst v63  }
.LBB2_4:
0x83: {  	s25 =	sadd.s32 $0xFFFFFFFF, s25  }
0x84: {  	p1 =	sne.s32 s25, $0x0  }
.Ltmp1:
0x85: {  	_ = 	snop;
	(pc) =	sbr.rel @!p1 .LBB2_5-.Ltmp1, $4  }
0x86: {  	_ = 	snop  }
0x87: {  	_ =	swait.ge [sflag:s11], $0x18000  }
0x88: {  	[sflag:s11] =	ssyncset.done $0x0  }
0x89: {  	[sflag:s11] =	ssyncadd.s32 $0xFFFE8000  }
.LBB2_1:
.Ltmp2:
0x8a: {  	(pc) =	sbr.rel @p0 .LBB2_3-.Ltmp2, $1  }
0x8b: {  	_ =	sdelay $0x3  }
0x8c: {  	s12 =	rddreg [dreg:$0xa]  }
0x8d: {  	[tilespmem:s2], [sflag:$0x1] =	stream.linear.gather [hbm4b:s12+s2], $0x18000, $0x38;
	[tilespmem:$0x18000] =	vst v63  }
0x8e: {  	_ =	swait.ge [sflag:s10], $0x18000  }
0x8f: {  	[sflag:s10] =	ssyncset.done $0x0  }
0x90: {  	[sflag:s10] =	ssyncadd.s32 $0xFFFE8000  }
0x91: {  	[hbm4b:s22+s2] =	stream.linear.scatter [tilespmem:s2], [sflag:$0x2], $0x18000, $0x38;
	[tilespmem:$0x18000] =	vst v63  }
0x92: {  	_ = 	snop  }
0x93: {  	[hbm4b:s24+s2] =	stream.linear.scatter [tilespmem:s2], [sflag:$0x2], $0x18000, $0x38;
	[tilespmem:$0x18000] =	vst v63  }
0x94: {  	_ = 	snop  }
0x95: {  	[hbm4b:s26+s2] =	stream.linear.scatter [tilespmem:s2], [sflag:$0x2], $0x18000, $0x38;
	[tilespmem:$0x18000] =	vst v63  }
0x96: {  	_ = 	snop  }
0x97: {  	[hbm4b:s28+s2] =	stream.linear.scatter [tilespmem:s2], [sflag:$0x2], $0x18000, $0x38;
	[tilespmem:$0x18000] =	vst v63  }
0x98: {  	_ = 	snop  }
0x99: {  	[hbm4b:s29+s2] =	stream.linear.scatter [tilespmem:s2], [sflag:$0x2], $0x18000, $0x38;
	[tilespmem:$0x18000] =	vst v63  }
0x9a: {  	_ = 	snop  }
0x9b: {  	[hbm4b:s30+s2] =	stream.linear.scatter [tilespmem:s2], [sflag:$0x2], $0x18000, $0x38;
	[tilespmem:$0x18000] =	vst v63  }
0x9c: {  	_ = 	snop  }
0x9d: {  	[hbm4b:s31+s2] =	stream.linear.scatter [tilespmem:s2], [sflag:$0x2], $0x18000, $0x38;
	[tilespmem:$0x18000] =	vst v63  }
0x9e: {  	_ = 	snop  }
0x9f: {  	[hbm4b:s1+s2] =	stream.linear.scatter [tilespmem:s2], [sflag:$0x2], $0x18000, $0x38;
	[tilespmem:$0x18000] =	vst v63  }
0xa0: {  	_ =	swait.ge [sflag:s11], $0x18000  }
0xa1: {  	[sflag:s11] =	ssyncset.done $0x0  }
0xa2: {  	[sflag:s11] =	ssyncadd.s32 $0xFFFE8000  }
0xa3: {  	_ =	swait.ge [sflag:s11], $0x18000  }
0xa4: {  	[sflag:s11] =	ssyncset.done $0x0  }
0xa5: {  	[sflag:s11] =	ssyncadd.s32 $0xFFFE8000  }
0xa6: {  	_ =	swait.ge [sflag:s11], $0x18000  }
0xa7: {  	[sflag:s11] =	ssyncset.done $0x0  }
0xa8: {  	[sflag:s11] =	ssyncadd.s32 $0xFFFE8000  }
0xa9: {  	_ =	swait.ge [sflag:s11], $0x18000  }
0xaa: {  	[sflag:s11] =	ssyncset.done $0x0  }
0xab: {  	[sflag:s11] =	ssyncadd.s32 $0xFFFE8000  }
0xac: {  	_ =	swait.ge [sflag:s11], $0x18000  }
0xad: {  	[sflag:s11] =	ssyncset.done $0x0  }
0xae: {  	[sflag:s11] =	ssyncadd.s32 $0xFFFE8000  }
0xaf: {  	_ =	swait.ge [sflag:s11], $0x18000  }
0xb0: {  	[sflag:s11] =	ssyncset.done $0x0  }
0xb1: {  	[sflag:s11] =	ssyncadd.s32 $0xFFFE8000  }
0xb2: {  	_ =	swait.ge [sflag:s11], $0x18000  }
0xb3: {  	[sflag:s11] =	ssyncset.done $0x0  }
0xb4: {  	[sflag:s11] =	ssyncadd.s32 $0xFFFE8000  }
0xb5: {  	_ =	swait.ge [sflag:s11], $0x18000  }
0xb6: {  	[sflag:s11] =	ssyncset.done $0x0  }
0xb7: {  	s12 =	rddreg [dreg:$0xb];
	[sflag:s11] =	ssyncadd.s32 $0xFFFE8000  }
0xb8: {  	[tilespmem:s2], [sflag:$0x1] =	stream.linear.gather [hbm4b:s12+s2], $0x18000, $0x38;
	[tilespmem:$0x18000] =	vst v63  }
0xb9: {  	_ =	swait.ge [sflag:s10], $0x18000  }
0xba: {  	[sflag:s10] =	ssyncset.done $0x0  }
0xbb: {  	[sflag:s10] =	ssyncadd.s32 $0xFFFE8000  }
0xbc: {  	[hbm4b:s23+s2] =	stream.linear.scatter [tilespmem:s2], [sflag:$0x2], $0x18000, $0x38;
	[tilespmem:$0x18000] =	vst v63  }
0xbd: {  	_ = 	snop  }
0xbe: {  	[hbm4b:s0+s2] =	stream.linear.scatter [tilespmem:s2], [sflag:$0x2], $0x18000, $0x38;
	[tilespmem:$0x18000] =	vst v63  }
0xbf: {  	_ = 	snop  }
0xc0: {  	[hbm4b:s4+s2] =	stream.linear.scatter [tilespmem:s2], [sflag:$0x2], $0x18000, $0x38;
	[tilespmem:$0x18000] =	vst v63  }
0xc1: {  	_ = 	snop  }
0xc2: {  	[hbm4b:s5+s2] =	stream.linear.scatter [tilespmem:s2], [sflag:$0x2], $0x18000, $0x38;
	[tilespmem:$0x18000] =	vst v63  }
0xc3: {  	_ = 	snop  }
0xc4: {  	[hbm4b:s6+s2] =	stream.linear.scatter [tilespmem:s2], [sflag:$0x2], $0x18000, $0x38;
	[tilespmem:$0x18000] =	vst v63  }
0xc5: {  	_ = 	snop  }
0xc6: {  	[hbm4b:s7+s2] =	stream.linear.scatter [tilespmem:s2], [sflag:$0x2], $0x18000, $0x38;
	[tilespmem:$0x18000] =	vst v63  }
0xc7: {  	_ = 	snop  }
0xc8: {  	[hbm4b:s8+s2] =	stream.linear.scatter [tilespmem:s2], [sflag:$0x2], $0x18000, $0x38;
	[tilespmem:$0x18000] =	vst v63  }
0xc9: {  	_ = 	snop  }
0xca: {  	[hbm4b:s9+s2] =	stream.linear.scatter [tilespmem:s2], [sflag:$0x2], $0x18000, $0x38;
	[tilespmem:$0x18000] =	vst v63  }
0xcb: {  	_ =	swait.ge [sflag:s11], $0x18000  }
0xcc: {  	[sflag:s11] =	ssyncset.done $0x0  }
0xcd: {  	[sflag:s11] =	ssyncadd.s32 $0xFFFE8000  }
0xce: {  	_ =	swait.ge [sflag:s11], $0x18000  }
0xcf: {  	[sflag:s11] =	ssyncset.done $0x0  }
0xd0: {  	[sflag:s11] =	ssyncadd.s32 $0xFFFE8000  }
0xd1: {  	_ =	swait.ge [sflag:s11], $0x18000  }
0xd2: {  	[sflag:s11] =	ssyncset.done $0x0  }
0xd3: {  	[sflag:s11] =	ssyncadd.s32 $0xFFFE8000  }
0xd4: {  	_ =	swait.ge [sflag:s11], $0x18000  }
0xd5: {  	[sflag:s11] =	ssyncset.done $0x0  }
0xd6: {  	[sflag:s11] =	ssyncadd.s32 $0xFFFE8000  }
0xd7: {  	_ =	swait.ge [sflag:s11], $0x18000  }
0xd8: {  	[sflag:s11] =	ssyncset.done $0x0  }
0xd9: {  	[sflag:s11] =	ssyncadd.s32 $0xFFFE8000  }
0xda: {  	_ =	swait.ge [sflag:s11], $0x18000  }
.Ltmp3:
0xdb: {  	[sflag:s11] =	ssyncset.done $0x0;
	(pc) =	sbr.rel .LBB2_4-.Ltmp3, $4  }
0xdc: {  	[sflag:s11] =	ssyncadd.s32 $0xFFFE8000  }
0xdd: {  	_ =	swait.ge [sflag:s11], $0x18000  }
0xde: {  	[sflag:s11] =	ssyncset.done $0x0  }
0xdf: {  	[sflag:s11] =	ssyncadd.s32 $0xFFFE8000  }
.LBB2_5:
0xe0: {  	_ =	sfence.sel $0x180000  }
0xe1: {  	[bflag:$0x0] =	sbarrier.arrive $0xFFFF  }
0xe2: {  	_ =	strace $0x90000047  }
0xe3: {  	s0 =	stileid.u32;
	[bflag:$0x2] =	sbarrier.arrive $0xFFFF  }
0xe4: {  	p0 =	sne.s32 s0, $0x0;
	s0 =	rddreg [dreg:$0x2]  }
0xe5: {  	s0 =	sadd.s32 @!p0 $0x100000, s0  }
0xe6: {  	[sflag:s0] =	ssyncadd.tile.s32 @!p0 $0x1;
	_ =	shalt  }
.Lfunc_end2:
_tile_overlayer_lowered:
.L_overlay_start_2:
0xe7: {  	(tag) =	ssettag $0x2  }
0xe8: {  	s0 =	rddreg [dreg:$0x0];
	s2 =	stileid.u32  }
0xe9: {  	s1 =	rddreg [dreg:$0x1];
	p0 =	sne.s32 s2, $0x0  }
0xea: {  	s3 =	rddreg [dreg:$0x2];
	[bflag:$0x3] =	sbarrier.arrive $0xFFFF;
	s2 =	simm.s32 @!p0 $0x1C03  }
0xeb: {  	[timem:s3], [sflag:s2] =	dma.local @!p0 [hbm:s0], s1  }
0xec: {  	s0 =	simm.s32 @!p0 $0x3  }
0xed: {  	_ =	swait.ge @!p0 [sflag:s0], s1  }
0xee: {  	s1 =	ssub.s32 @!p0 $0x0, s1;
	[sflag:s0] =	ssyncset.done @!p0 $0x0  }
0xef: {  	[sflag:s0] =	ssyncadd.s32 @!p0 s1  }
0xf0: {  	[bflag:$0x3] =	sbarrier.arrive $0xFFFF  }
0xf1: {  	_ =	shalt  }

</sc_bundles>
